<compile_context>
chip_gen: v7x
topology: tpu7x:2x2x1
jax: 0.10.2.dev20260603
libtpu: 0.0.44.dev20260713+nightly
codegen_flags: <defaults>
</compile_context>

<pallas_src>
import functools

import jax
import jax.numpy as jnp
from jax import lax
from jax.experimental import pallas as pl
from jax.experimental.pallas import tpu as pltpu
from jax.experimental.pallas import tpu_sc as plsc

_B = 16384
_D = 128
_ROWS = 201
_LANES = 16
_NC = 2
_NS = 16
_NW = _NC * _NS
_BPW = _B // _NW
_GCH = 64
_NCH = _BPW // _GCH
_MAGIC = 12582912.0


def _body(values_hbm, table_hbm, out_hbm, vals_v, idx_v, rows_v, table_s,
          gsem0, gsem1, wsem):
    sid = lax.axis_index("s")
    wid = sid * _NC + lax.axis_index("c")
    base = wid * _BPW

    @pl.when(sid == 0)
    def _stage_table():
        pltpu.sync_copy(table_hbm, table_s)

    pltpu.sync_copy(values_hbm.at[pl.ds(base, _BPW)], vals_v)

    def compute_chunk(j):
        for u in range(_GCH // _LANES):
            o = j * _GCH + u * _LANES
            v = vals_v[pl.ds(o, _LANES)]
            r = (v + _MAGIC) - _MAGIC
            r = jnp.minimum(jnp.maximum(r, -100.0), 100.0) + 100.0
            idx_v[pl.ds(o, _LANES)] = r.astype(jnp.int32)

    gsems = [gsem0, gsem1]

    def gather(j):
        return pltpu.async_copy(
            table_s.at[idx_v.at[pl.ds(j * _GCH, _GCH)]],
            rows_v.at[pl.ds(j * _GCH, _GCH)],
            gsems[j % 2],
        )

    def write(j):
        return pltpu.async_copy(
            rows_v.at[pl.ds(j * _GCH, _GCH)],
            out_hbm.at[pl.ds(base + j * _GCH, _GCH)],
            wsem,
        )

    compute_chunk(0)
    plsc.subcore_barrier()
    pending = [gather(0), None]
    outs = []
    for j in range(1, _NCH):
        compute_chunk(j)
        pending[j % 2] = gather(j)
        pending[(j - 1) % 2].wait()
        outs.append(write(j - 1))
    pending[(_NCH - 1) % 2].wait()
    outs.append(write(_NCH - 1))
    for c in outs:
        c.wait()


@jax.jit
def _run(values, table):
    mesh = plsc.VectorSubcoreMesh(core_axis_name="c", subcore_axis_name="s")
    kfn = functools.partial(
        pl.kernel,
        mesh=mesh,
        out_type=jax.ShapeDtypeStruct((_B, _D), jnp.float32),
        scratch_types=[
            pltpu.VMEM((_BPW,), jnp.float32),
            pltpu.VMEM((_BPW,), jnp.int32),
            pltpu.VMEM((_BPW, _D), jnp.float32),
            pltpu.VMEM_SHARED((_ROWS, _D), jnp.float32),
            pltpu.SemaphoreType.DMA,
            pltpu.SemaphoreType.DMA,
            pltpu.SemaphoreType.DMA,
        ],
    )(_body)
    return kfn(values, table)


def kernel(values, rand_emb_weight):
    return _run(values.astype(jnp.float32), rand_emb_weight)

# --- scband reference (transcript-rebuilt; emitter-appended) ---
"""Pipeline reference for scband-charge-spin-embedding-47167330845418 (READ-ONLY COPY).

The authoritative reference and input builder live on the scoring server;
editing this copy changes nothing except your own understanding.
"""

import jax, jax.numpy as jnp
import numpy as np

NUM_CHANNELS = 256
DIM = NUM_CHANNELS // 2  # 128
BATCH = 16384
MIN_VAL, MAX_VAL, OFFSET = -100, 100, 100
TABLE_ROWS = 201


def setup_inputs(seed: int = 0) -> dict:
    key = jax.random.key(seed)
    k1, k2 = jax.random.split(key)
    # charge-like continuous values; scaled so rounded/clamped indices span the table
    values = jax.random.normal(k1, (BATCH,), dtype=jnp.float32) * 60.0
    # nn.Embedding default init: N(0, 1)
    rand_emb_weight = jax.random.normal(k2, (TABLE_ROWS, DIM), dtype=jnp.float32)
    return {"values": values, "rand_emb_weight": rand_emb_weight}


def reference(values, rand_emb_weight):
    # ChargeSpinEmbedding.forward with embedding_type='rand_emb', target='charge'
    values = values.astype(jnp.float32)
    values_rounded = jnp.round(values)
    values_clamped = jnp.clip(values_rounded, MIN_VAL, MAX_VAL)
    indices = (values_clamped + OFFSET).astype(jnp.int32)
    emb = jnp.take(rand_emb_weight, indices, axis=0)
    return emb

if __name__ == "__main__":
    import jax
    _d = setup_inputs()
    print(jax.jit(kernel)(*tuple(_d.values())))

</pallas_src>

<mosaic_0001>
#map = affine_map<(d0, d1) -> (0)>
#map1 = affine_map<(d0, d1) -> (0, 0)>
module attributes {stable_mosaic.version = 14 : i64} {
  func.func @_body(%arg0: i32, %arg1: i32, %arg2: memref<16384xf32, #tpu.memory_space<hbm>>, %arg3: memref<201x128xf32, #tpu.memory_space<hbm>>, %arg4: memref<16384x128xf32, #tpu.memory_space<hbm>>, %arg5: memref<512xf32, #tpu.memory_space<vmem>>, %arg6: memref<512xi32, #tpu.memory_space<vmem>>, %arg7: memref<512x128xf32, #tpu.memory_space<vmem>>, %arg8: memref<201x128xf32, #tpu.memory_space<vmem_shared>>, %arg9: memref<!tpu.dma_semaphore, #tpu.memory_space<semaphore_mem>>, %arg10: memref<!tpu.dma_semaphore, #tpu.memory_space<semaphore_mem>>, %arg11: memref<!tpu.dma_semaphore, #tpu.memory_space<semaphore_mem>>) attributes {dimension_semantics = [#tpu.dimension_semantics<core_parallel>, #tpu.dimension_semantics<subcore_parallel>], iteration_bounds = array<i64: 2, 16>, scalar_prefetch = 0 : i64, scratch_operands = 7 : i64, tpu.core_type = #tpu.core_type<sc_vector_subcore>, window_params = [{transform_indices = #map}, {transform_indices = #map1}, {transform_indices = #map1}]} {
    %mul3A = arith.constant 2 : i32
    %mul3A_0 = arith.muli %arg1, %mul3A : i32
    %add3A = arith.addi %mul3A_0, %arg0 : i32
    %mul3A_1 = arith.constant 512 : i32
    %mul3A_2 = arith.muli %add3A, %mul3A_1 : i32
    %eq3A = arith.constant 0 : i32
    %eq3A_3 = arith.cmpi eq, %arg1, %eq3A : i32
    %convert_element_type3A = arith.extui %eq3A_3 : i1 to i32
    %cond3A = arith.constant 0 : i32
    %cond3A_4 = arith.cmpi ne, %convert_element_type3A, %cond3A : i32
    scf.if %cond3A_4 {
      "tpu.region"() ({
        %run_scoped3A = tpu.sem_alloc : memref<!tpu.dma_semaphore, #tpu.memory_space<semaphore_mem>>
        tpu.enqueue_dma source(%arg3 : memref<201x128xf32, #tpu.memory_space<hbm>>) target(%arg8 : memref<201x128xf32, #tpu.memory_space<vmem_shared>>) target_semaphore(%run_scoped3A : memref<!tpu.dma_semaphore, #tpu.memory_space<semaphore_mem>>)
        tpu.wait_dma2 semaphore(%run_scoped3A : memref<!tpu.dma_semaphore, #tpu.memory_space<semaphore_mem>>) src(%arg3 : memref<201x128xf32, #tpu.memory_space<hbm>>) dst(%arg8 : memref<201x128xf32, #tpu.memory_space<vmem_shared>>)
        tpu.yield
      }) : () -> ()
    } else {
    }
    "tpu.region"() ({
      %run_scoped3A = tpu.sem_alloc : memref<!tpu.dma_semaphore, #tpu.memory_space<semaphore_mem>>
      %dma_start3A_1038 = tpu.memref_slice %arg2[%mul3A_2] : memref<16384xf32, #tpu.memory_space<hbm>> -> memref<512xf32, #tpu.memory_space<hbm>>
      %dma_start3A_1039 = tpu.memref_slice %arg2[%mul3A_2] : memref<16384xf32, #tpu.memory_space<hbm>> -> memref<512xf32, #tpu.memory_space<hbm>>
      tpu.enqueue_dma source(%dma_start3A_1039 : memref<512xf32, #tpu.memory_space<hbm>>) target(%arg5 : memref<512xf32, #tpu.memory_space<vmem>>) target_semaphore(%run_scoped3A : memref<!tpu.dma_semaphore, #tpu.memory_space<semaphore_mem>>)
      %dma_wait3A_1040 = tpu.memref_slice %arg2[%mul3A_2] : memref<16384xf32, #tpu.memory_space<hbm>> -> memref<512xf32, #tpu.memory_space<hbm>>
      %dma_wait3A_1041 = tpu.memref_slice %arg2[%mul3A_2] : memref<16384xf32, #tpu.memory_space<hbm>> -> memref<512xf32, #tpu.memory_space<hbm>>
      tpu.wait_dma2 semaphore(%run_scoped3A : memref<!tpu.dma_semaphore, #tpu.memory_space<semaphore_mem>>) src(%dma_wait3A_1041 : memref<512xf32, #tpu.memory_space<hbm>>) dst(%arg5 : memref<512xf32, #tpu.memory_space<vmem>>)
      tpu.yield
    }) : () -> ()
    %get3A = arith.constant 0 : index
    %get3A_5 = tpu.vector_load %arg5[%get3A] {strides = array<i32>} : memref<512xf32, #tpu.memory_space<vmem>>, vector<16xf32>,
    %get3A_6 = vector.shape_cast %get3A_5 : vector<16xf32> to vector<16xf32>
    %add3A_7 = arith.constant 0x4B400000 : f32
    %add3A_8 = vector.broadcast %add3A_7 : f32 to vector<16xf32>
    %add3A_9 = arith.addf %get3A_6, %add3A_8 : vector<16xf32>
    %sub3A = arith.constant 0x4B400000 : f32
    %sub3A_10 = vector.broadcast %sub3A : f32 to vector<16xf32>
    %sub3A_11 = arith.subf %add3A_9, %sub3A_10 : vector<16xf32>
    %max3A = arith.constant -1.000000e+02 : f32
    %max3A_12 = vector.broadcast %max3A : f32 to vector<16xf32>
    %max3A_13 = arith.maximumf %sub3A_11, %max3A_12 : vector<16xf32>
    %min3A = arith.constant 1.000000e+02 : f32
    %min3A_14 = vector.broadcast %min3A : f32 to vector<16xf32>
    %min3A_15 = arith.minimumf %max3A_13, %min3A_14 : vector<16xf32>
    %add3A_16 = arith.constant 1.000000e+02 : f32
    %add3A_17 = vector.broadcast %add3A_16 : f32 to vector<16xf32>
    %add3A_18 = arith.addf %min3A_15, %add3A_17 : vector<16xf32>
    %convert_element_type3A_19 = arith.fptosi %add3A_18 : vector<16xf32> to vector<16xi32>
    %swap3A = arith.constant 0 : index
    %swap3A_20 = tpu.vector_load %arg6[%swap3A] {strides = array<i32>} : memref<512xi32, #tpu.memory_space<vmem>>, vector<16xi32>,
    %swap3A_21 = vector.shape_cast %swap3A_20 : vector<16xi32> to vector<16xi32>
    %swap3A_22 = vector.shape_cast %convert_element_type3A_19 : vector<16xi32> to vector<16xi32>
    tpu.vector_store %arg6[%swap3A], %swap3A_22 {strides = array<i32>} : memref<512xi32, #tpu.memory_space<vmem>>, vector<16xi32>,
    %get3A_23 = arith.constant 16 : index
    %get3A_24 = tpu.vector_load %arg5[%get3A_23] {strides = array<i32>} : memref<512xf32, #tpu.memory_space<vmem>>, vector<16xf32>,
    %get3A_25 = vector.shape_cast %get3A_24 : vector<16xf32> to vector<16xf32>
    %add3A_26 = arith.constant 0x4B400000 : f32
    %add3A_27 = vector.broadcast %add3A_26 : f32 to vector<16xf32>
    %add3A_28 = arith.addf %get3A_25, %add3A_27 : vector<16xf32>
    %sub3A_29 = arith.constant 0x4B400000 : f32
    %sub3A_30 = vector.broadcast %sub3A_29 : f32 to vector<16xf32>
    %sub3A_31 = arith.subf %add3A_28, %sub3A_30 : vector<16xf32>
    %max3A_32 = arith.constant -1.000000e+02 : f32
    %max3A_33 = vector.broadcast %max3A_32 : f32 to vector<16xf32>
    %max3A_34 = arith.maximumf %sub3A_31, %max3A_33 : vector<16xf32>
    %min3A_35 = arith.constant 1.000000e+02 : f32
    %min3A_36 = vector.broadcast %min3A_35 : f32 to vector<16xf32>
    %min3A_37 = arith.minimumf %max3A_34, %min3A_36 : vector<16xf32>
    %add3A_38 = arith.constant 1.000000e+02 : f32
    %add3A_39 = vector.broadcast %add3A_38 : f32 to vector<16xf32>
    %add3A_40 = arith.addf %min3A_37, %add3A_39 : vector<16xf32>
    %convert_element_type3A_41 = arith.fptosi %add3A_40 : vector<16xf32> to vector<16xi32>
    %swap3A_42 = arith.constant 16 : index
    %swap3A_43 = tpu.vector_load %arg6[%swap3A_42] {strides = array<i32>} : memref<512xi32, #tpu.memory_space<vmem>>, vector<16xi32>,
    %swap3A_44 = vector.shape_cast %swap3A_43 : vector<16xi32> to vector<16xi32>
    %swap3A_45 = vector.shape_cast %convert_element_type3A_41 : vector<16xi32> to vector<16xi32>
    tpu.vector_store %arg6[%swap3A_42], %swap3A_45 {strides = array<i32>} : memref<512xi32, #tpu.memory_space<vmem>>, vector<16xi32>,
    %get3A_46 = arith.constant 32 : index
    %get3A_47 = tpu.vector_load %arg5[%get3A_46] {strides = array<i32>} : memref<512xf32, #tpu.memory_space<vmem>>, vector<16xf32>,
    %get3A_48 = vector.shape_cast %get3A_47 : vector<16xf32> to vector<16xf32>
    %add3A_49 = arith.constant 0x4B400000 : f32
    %add3A_50 = vector.broadcast %add3A_49 : f32 to vector<16xf32>
    %add3A_51 = arith.addf %get3A_48, %add3A_50 : vector<16xf32>
    %sub3A_52 = arith.constant 0x4B400000 : f32
    %sub3A_53 = vector.broadcast %sub3A_52 : f32 to vector<16xf32>
    %sub3A_54 = arith.subf %add3A_51, %sub3A_53 : vector<16xf32>
    %max3A_55 = arith.constant -1.000000e+02 : f32
    %max3A_56 = vector.broadcast %max3A_55 : f32 to vector<16xf32>
    %max3A_57 = arith.maximumf %sub3A_54, %max3A_56 : vector<16xf32>
    %min3A_58 = arith.constant 1.000000e+02 : f32
    %min3A_59 = vector.broadcast %min3A_58 : f32 to vector<16xf32>
    %min3A_60 = arith.minimumf %max3A_57, %min3A_59 : vector<16xf32>
    %add3A_61 = arith.constant 1.000000e+02 : f32
    %add3A_62 = vector.broadcast %add3A_61 : f32 to vector<16xf32>
    %add3A_63 = arith.addf %min3A_60, %add3A_62 : vector<16xf32>
    %convert_element_type3A_64 = arith.fptosi %add3A_63 : vector<16xf32> to vector<16xi32>
    %swap3A_65 = arith.constant 32 : index
    %swap3A_66 = tpu.vector_load %arg6[%swap3A_65] {strides = array<i32>} : memref<512xi32, #tpu.memory_space<vmem>>, vector<16xi32>,
    %swap3A_67 = vector.shape_cast %swap3A_66 : vector<16xi32> to vector<16xi32>
    %swap3A_68 = vector.shape_cast %convert_element_type3A_64 : vector<16xi32> to vector<16xi32>
    tpu.vector_store %arg6[%swap3A_65], %swap3A_68 {strides = array<i32>} : memref<512xi32, #tpu.memory_space<vmem>>, vector<16xi32>,
    %get3A_69 = arith.constant 48 : index
    %get3A_70 = tpu.vector_load %arg5[%get3A_69] {strides = array<i32>} : memref<512xf32, #tpu.memory_space<vmem>>, vector<16xf32>,
    %get3A_71 = vector.shape_cast %get3A_70 : vector<16xf32> to vector<16xf32>
    %add3A_72 = arith.constant 0x4B400000 : f32
    %add3A_73 = vector.broadcast %add3A_72 : f32 to vector<16xf32>
    %add3A_74 = arith.addf %get3A_71, %add3A_73 : vector<16xf32>
    %sub3A_75 = arith.constant 0x4B400000 : f32
    %sub3A_76 = vector.broadcast %sub3A_75 : f32 to vector<16xf32>
    %sub3A_77 = arith.subf %add3A_74, %sub3A_76 : vector<16xf32>
    %max3A_78 = arith.constant -1.000000e+02 : f32
    %max3A_79 = vector.broadcast %max3A_78 : f32 to vector<16xf32>
    %max3A_80 = arith.maximumf %sub3A_77, %max3A_79 : vector<16xf32>
    %min3A_81 = arith.constant 1.000000e+02 : f32
    %min3A_82 = vector.broadcast %min3A_81 : f32 to vector<16xf32>
    %min3A_83 = arith.minimumf %max3A_80, %min3A_82 : vector<16xf32>
    %add3A_84 = arith.constant 1.000000e+02 : f32
    %add3A_85 = vector.broadcast %add3A_84 : f32 to vector<16xf32>
    %add3A_86 = arith.addf %min3A_83, %add3A_85 : vector<16xf32>
    %convert_element_type3A_87 = arith.fptosi %add3A_86 : vector<16xf32> to vector<16xi32>
    %swap3A_88 = arith.constant 48 : index
    %swap3A_89 = tpu.vector_load %arg6[%swap3A_88] {strides = array<i32>} : memref<512xi32, #tpu.memory_space<vmem>>, vector<16xi32>,
    %swap3A_90 = vector.shape_cast %swap3A_89 : vector<16xi32> to vector<16xi32>
    %swap3A_91 = vector.shape_cast %convert_element_type3A_87 : vector<16xi32> to vector<16xi32>
    tpu.vector_store %arg6[%swap3A_88], %swap3A_91 {strides = array<i32>} : memref<512xi32, #tpu.memory_space<vmem>>, vector<16xi32>,
    %barrier3A = arith.constant 0 : index
    tpu.barrier barrier_id(%barrier3A)
    %dma_start3A = arith.constant 0 : i32
    %dma_start3A_92 = arith.constant 0 : i32
    %dma_start3A_93 = tpu.memref_slice %arg7[%dma_start3A, %dma_start3A_92] : memref<512x128xf32, #tpu.memory_space<vmem>> -> memref<64x128xf32, #tpu.memory_space<vmem>>
    %dma_start3A_94 = arith.constant 0 : i32
    %dma_start3A_95 = tpu.memref_slice %arg6[%dma_start3A_94] : memref<512xi32, #tpu.memory_space<vmem>> -> memref<64xi32, #tpu.memory_space<vmem>>
    %dma_start3A_96 = arith.constant 0 : i32
    %dma_start3A_97 = arith.constant 0 : i32
    %dma_start3A_98 = tpu.memref_slice %arg8[%dma_start3A_96, %dma_start3A_97] : memref<201x128xf32, #tpu.memory_space<vmem_shared>> -> memref<201x128xf32, #tpu.memory_space<vmem_shared>>
    tpu.enqueue_indirect_dma source(%dma_start3A_98 : memref<201x128xf32, #tpu.memory_space<vmem_shared>>) target(%dma_start3A_93 : memref<64x128xf32, #tpu.memory_space<vmem>>) offsets(%dma_start3A_95 : memref<64xi32, #tpu.memory_space<vmem>>) semaphore(%arg9 : memref<!tpu.dma_semaphore, #tpu.memory_space<semaphore_mem>>)
    %get3A_99 = arith.constant 64 : index
    %get3A_100 = tpu.vector_load %arg5[%get3A_99] {strides = array<i32>} : memref<512xf32, #tpu.memory_space<vmem>>, vector<16xf32>,
    %get3A_101 = vector.shape_cast %get3A_100 : vector<16xf32> to vector<16xf32>
    %add3A_102 = arith.constant 0x4B400000 : f32
    %add3A_103 = vector.broadcast %add3A_102 : f32 to vector<16xf32>
    %add3A_104 = arith.addf %get3A_101, %add3A_103 : vector<16xf32>
    %sub3A_105 = arith.constant 0x4B400000 : f32
    %sub3A_106 = vector.broadcast %sub3A_105 : f32 to vector<16xf32>
    %sub3A_107 = arith.subf %add3A_104, %sub3A_106 : vector<16xf32>
    %max3A_108 = arith.constant -1.000000e+02 : f32
    %max3A_109 = vector.broadcast %max3A_108 : f32 to vector<16xf32>
    %max3A_110 = arith.maximumf %sub3A_107, %max3A_109 : vector<16xf32>
    %min3A_111 = arith.constant 1.000000e+02 : f32
    %min3A_112 = vector.broadcast %min3A_111 : f32 to vector<16xf32>
    %min3A_113 = arith.minimumf %max3A_110, %min3A_112 : vector<16xf32>
    %add3A_114 = arith.constant 1.000000e+02 : f32
    %add3A_115 = vector.broadcast %add3A_114 : f32 to vector<16xf32>
    %add3A_116 = arith.addf %min3A_113, %add3A_115 : vector<16xf32>
    %convert_element_type3A_117 = arith.fptosi %add3A_116 : vector<16xf32> to vector<16xi32>
    %swap3A_118 = arith.constant 64 : index
    %swap3A_119 = tpu.vector_load %arg6[%swap3A_118] {strides = array<i32>} : memref<512xi32, #tpu.memory_space<vmem>>, vector<16xi32>,
    %swap3A_120 = vector.shape_cast %swap3A_119 : vector<16xi32> to vector<16xi32>
    %swap3A_121 = vector.shape_cast %convert_element_type3A_117 : vector<16xi32> to vector<16xi32>
    tpu.vector_store %arg6[%swap3A_118], %swap3A_121 {strides = array<i32>} : memref<512xi32, #tpu.memory_space<vmem>>, vector<16xi32>,
    %get3A_122 = arith.constant 80 : index
    %get3A_123 = tpu.vector_load %arg5[%get3A_122] {strides = array<i32>} : memref<512xf32, #tpu.memory_space<vmem>>, vector<16xf32>,
    %get3A_124 = vector.shape_cast %get3A_123 : vector<16xf32> to vector<16xf32>
    %add3A_125 = arith.constant 0x4B400000 : f32
    %add3A_126 = vector.broadcast %add3A_125 : f32 to vector<16xf32>
    %add3A_127 = arith.addf %get3A_124, %add3A_126 : vector<16xf32>
    %sub3A_128 = arith.constant 0x4B400000 : f32
    %sub3A_129 = vector.broadcast %sub3A_128 : f32 to vector<16xf32>
    %sub3A_130 = arith.subf %add3A_127, %sub3A_129 : vector<16xf32>
    %max3A_131 = arith.constant -1.000000e+02 : f32
    %max3A_132 = vector.broadcast %max3A_131 : f32 to vector<16xf32>
    %max3A_133 = arith.maximumf %sub3A_130, %max3A_132 : vector<16xf32>
    %min3A_134 = arith.constant 1.000000e+02 : f32
    %min3A_135 = vector.broadcast %min3A_134 : f32 to vector<16xf32>
    %min3A_136 = arith.minimumf %max3A_133, %min3A_135 : vector<16xf32>
    %add3A_137 = arith.constant 1.000000e+02 : f32
    %add3A_138 = vector.broadcast %add3A_137 : f32 to vector<16xf32>
    %add3A_139 = arith.addf %min3A_136, %add3A_138 : vector<16xf32>
    %convert_element_type3A_140 = arith.fptosi %add3A_139 : vector<16xf32> to vector<16xi32>
    %swap3A_141 = arith.constant 80 : index
    %swap3A_142 = tpu.vector_load %arg6[%swap3A_141] {strides = array<i32>} : memref<512xi32, #tpu.memory_space<vmem>>, vector<16xi32>,
    %swap3A_143 = vector.shape_cast %swap3A_142 : vector<16xi32> to vector<16xi32>
    %swap3A_144 = vector.shape_cast %convert_element_type3A_140 : vector<16xi32> to vector<16xi32>
    tpu.vector_store %arg6[%swap3A_141], %swap3A_144 {strides = array<i32>} : memref<512xi32, #tpu.memory_space<vmem>>, vector<16xi32>,
    %get3A_145 = arith.constant 96 : index
    %get3A_146 = tpu.vector_load %arg5[%get3A_145] {strides = array<i32>} : memref<512xf32, #tpu.memory_space<vmem>>, vector<16xf32>,
    %get3A_147 = vector.shape_cast %get3A_146 : vector<16xf32> to vector<16xf32>
    %add3A_148 = arith.constant 0x4B400000 : f32
    %add3A_149 = vector.broadcast %add3A_148 : f32 to vector<16xf32>
    %add3A_150 = arith.addf %get3A_147, %add3A_149 : vector<16xf32>
    %sub3A_151 = arith.constant 0x4B400000 : f32
    %sub3A_152 = vector.broadcast %sub3A_151 : f32 to vector<16xf32>
    %sub3A_153 = arith.subf %add3A_150, %sub3A_152 : vector<16xf32>
    %max3A_154 = arith.constant -1.000000e+02 : f32
    %max3A_155 = vector.broadcast %max3A_154 : f32 to vector<16xf32>
    %max3A_156 = arith.maximumf %sub3A_153, %max3A_155 : vector<16xf32>
    %min3A_157 = arith.constant 1.000000e+02 : f32
    %min3A_158 = vector.broadcast %min3A_157 : f32 to vector<16xf32>
    %min3A_159 = arith.minimumf %max3A_156, %min3A_158 : vector<16xf32>
    %add3A_160 = arith.constant 1.000000e+02 : f32
    %add3A_161 = vector.broadcast %add3A_160 : f32 to vector<16xf32>
    %add3A_162 = arith.addf %min3A_159, %add3A_161 : vector<16xf32>
    %convert_element_type3A_163 = arith.fptosi %add3A_162 : vector<16xf32> to vector<16xi32>
    %swap3A_164 = arith.constant 96 : index
    %swap3A_165 = tpu.vector_load %arg6[%swap3A_164] {strides = array<i32>} : memref<512xi32, #tpu.memory_space<vmem>>, vector<16xi32>,
    %swap3A_166 = vector.shape_cast %swap3A_165 : vector<16xi32> to vector<16xi32>
    %swap3A_167 = vector.shape_cast %convert_element_type3A_163 : vector<16xi32> to vector<16xi32>
    tpu.vector_store %arg6[%swap3A_164], %swap3A_167 {strides = array<i32>} : memref<512xi32, #tpu.memory_space<vmem>>, vector<16xi32>,
    %get3A_168 = arith.constant 112 : index
    %get3A_169 = tpu.vector_load %arg5[%get3A_168] {strides = array<i32>} : memref<512xf32, #tpu.memory_space<vmem>>, vector<16xf32>,
    %get3A_170 = vector.shape_cast %get3A_169 : vector<16xf32> to vector<16xf32>
    %add3A_171 = arith.constant 0x4B400000 : f32
    %add3A_172 = vector.broadcast %add3A_171 : f32 to vector<16xf32>
    %add3A_173 = arith.addf %get3A_170, %add3A_172 : vector<16xf32>
    %sub3A_174 = arith.constant 0x4B400000 : f32
    %sub3A_175 = vector.broadcast %sub3A_174 : f32 to vector<16xf32>
    %sub3A_176 = arith.subf %add3A_173, %sub3A_175 : vector<16xf32>
    %max3A_177 = arith.constant -1.000000e+02 : f32
    %max3A_178 = vector.broadcast %max3A_177 : f32 to vector<16xf32>
    %max3A_179 = arith.maximumf %sub3A_176, %max3A_178 : vector<16xf32>
    %min3A_180 = arith.constant 1.000000e+02 : f32
    %min3A_181 = vector.broadcast %min3A_180 : f32 to vector<16xf32>
    %min3A_182 = arith.minimumf %max3A_179, %min3A_181 : vector<16xf32>
    %add3A_183 = arith.constant 1.000000e+02 : f32
    %add3A_184 = vector.broadcast %add3A_183 : f32 to vector<16xf32>
    %add3A_185 = arith.addf %min3A_182, %add3A_184 : vector<16xf32>
    %convert_element_type3A_186 = arith.fptosi %add3A_185 : vector<16xf32> to vector<16xi32>
    %swap3A_187 = arith.constant 112 : index
    %swap3A_188 = tpu.vector_load %arg6[%swap3A_187] {strides = array<i32>} : memref<512xi32, #tpu.memory_space<vmem>>, vector<16xi32>,
    %swap3A_189 = vector.shape_cast %swap3A_188 : vector<16xi32> to vector<16xi32>
    %swap3A_190 = vector.shape_cast %convert_element_type3A_186 : vector<16xi32> to vector<16xi32>
    tpu.vector_store %arg6[%swap3A_187], %swap3A_190 {strides = array<i32>} : memref<512xi32, #tpu.memory_space<vmem>>, vector<16xi32>,
    %dma_start3A_191 = arith.constant 64 : i32
    %dma_start3A_192 = arith.constant 0 : i32
    %dma_start3A_193 = tpu.memref_slice %arg7[%dma_start3A_191, %dma_start3A_192] : memref<512x128xf32, #tpu.memory_space<vmem>> -> memref<64x128xf32, #tpu.memory_space<vmem>>
    %dma_start3A_194 = arith.constant 64 : i32
    %dma_start3A_195 = tpu.memref_slice %arg6[%dma_start3A_194] : memref<512xi32, #tpu.memory_space<vmem>> -> memref<64xi32, #tpu.memory_space<vmem>>
    %dma_start3A_196 = arith.constant 0 : i32
    %dma_start3A_197 = arith.constant 0 : i32
    %dma_start3A_198 = tpu.memref_slice %arg8[%dma_start3A_196, %dma_start3A_197] : memref<201x128xf32, #tpu.memory_space<vmem_shared>> -> memref<201x128xf32, #tpu.memory_space<vmem_shared>>
    tpu.enqueue_indirect_dma source(%dma_start3A_198 : memref<201x128xf32, #tpu.memory_space<vmem_shared>>) target(%dma_start3A_193 : memref<64x128xf32, #tpu.memory_space<vmem>>) offsets(%dma_start3A_195 : memref<64xi32, #tpu.memory_space<vmem>>) semaphore(%arg10 : memref<!tpu.dma_semaphore, #tpu.memory_space<semaphore_mem>>)
    %dma_wait3A = arith.constant 0 : i32
    %dma_wait3A_199 = arith.constant 0 : i32
    %dma_wait3A_200 = tpu.memref_slice %arg7[%dma_wait3A, %dma_wait3A_199] : memref<512x128xf32, #tpu.memory_space<vmem>> -> memref<64x128xf32, #tpu.memory_space<vmem>>
    %dma_wait3A_201 = arith.constant 0 : i32
    %dma_wait3A_202 = tpu.memref_slice %arg6[%dma_wait3A_201] : memref<512xi32, #tpu.memory_space<vmem>> -> memref<64xi32, #tpu.memory_space<vmem>>
    %dma_wait3A_203 = arith.constant 0 : i32
    %dma_wait3A_204 = arith.constant 0 : i32
    %dma_wait3A_205 = tpu.memref_slice %arg8[%dma_wait3A_203, %dma_wait3A_204] : memref<201x128xf32, #tpu.memory_space<vmem_shared>> -> memref<201x128xf32, #tpu.memory_space<vmem_shared>>
    tpu.wait_indirect_dma semaphore(%arg9 : memref<!tpu.dma_semaphore, #tpu.memory_space<semaphore_mem>>) src(%dma_wait3A_205 : memref<201x128xf32, #tpu.memory_space<vmem_shared>>) dst(%dma_wait3A_200 : memref<64x128xf32, #tpu.memory_space<vmem>>)
    %add3A_206 = arith.constant 0 : i32
    %add3A_207 = arith.addi %mul3A_2, %add3A_206 : i32
    %dma_start3A_208 = arith.constant 0 : i32
    %dma_start3A_209 = arith.constant 0 : i32
    %dma_start3A_210 = tpu.memref_slice %arg7[%dma_start3A_208, %dma_start3A_209] : memref<512x128xf32, #tpu.memory_space<vmem>> -> memref<64x128xf32, #tpu.memory_space<vmem>>
    %dma_start3A_211 = arith.constant 0 : i32
    %dma_start3A_212 = tpu.memref_slice %arg4[%add3A_207, %dma_start3A_211] : memref<16384x128xf32, #tpu.memory_space<hbm>> -> memref<64x128xf32, #tpu.memory_space<hbm>>
    %dma_start3A_213 = arith.constant 0 : i32
    %dma_start3A_214 = tpu.memref_slice %arg4[%add3A_207, %dma_start3A_213] : memref<16384x128xf32, #tpu.memory_space<hbm>> -> memref<64x128xf32, #tpu.memory_space<hbm>>
    %dma_start3A_215 = arith.constant 0 : i32
    %dma_start3A_216 = arith.constant 0 : i32
    %dma_start3A_217 = tpu.memref_slice %arg7[%dma_start3A_215, %dma_start3A_216] : memref<512x128xf32, #tpu.memory_space<vmem>> -> memref<64x128xf32, #tpu.memory_space<vmem>>
    tpu.enqueue_dma source(%dma_start3A_217 : memref<64x128xf32, #tpu.memory_space<vmem>>) target(%dma_start3A_214 : memref<64x128xf32, #tpu.memory_space<hbm>>) target_semaphore(%arg11 : memref<!tpu.dma_semaphore, #tpu.memory_space<semaphore_mem>>)
    %get3A_218 = arith.constant 128 : index
    %get3A_219 = tpu.vector_load %arg5[%get3A_218] {strides = array<i32>} : memref<512xf32, #tpu.memory_space<vmem>>, vector<16xf32>,
    %get3A_220 = vector.shape_cast %get3A_219 : vector<16xf32> to vector<16xf32>
    %add3A_221 = arith.constant 0x4B400000 : f32
    %add3A_222 = vector.broadcast %add3A_221 : f32 to vector<16xf32>
    %add3A_223 = arith.addf %get3A_220, %add3A_222 : vector<16xf32>
    %sub3A_224 = arith.constant 0x4B400000 : f32
    %sub3A_225 = vector.broadcast %sub3A_224 : f32 to vector<16xf32>
    %sub3A_226 = arith.subf %add3A_223, %sub3A_225 : vector<16xf32>
    %max3A_227 = arith.constant -1.000000e+02 : f32
    %max3A_228 = vector.broadcast %max3A_227 : f32 to vector<16xf32>
    %max3A_229 = arith.maximumf %sub3A_226, %max3A_228 : vector<16xf32>
    %min3A_230 = arith.constant 1.000000e+02 : f32
    %min3A_231 = vector.broadcast %min3A_230 : f32 to vector<16xf32>
    %min3A_232 = arith.minimumf %max3A_229, %min3A_231 : vector<16xf32>
    %add3A_233 = arith.constant 1.000000e+02 : f32
    %add3A_234 = vector.broadcast %add3A_233 : f32 to vector<16xf32>
    %add3A_235 = arith.addf %min3A_232, %add3A_234 : vector<16xf32>
    %convert_element_type3A_236 = arith.fptosi %add3A_235 : vector<16xf32> to vector<16xi32>
    %swap3A_237 = arith.constant 128 : index
    %swap3A_238 = tpu.vector_load %arg6[%swap3A_237] {strides = array<i32>} : memref<512xi32, #tpu.memory_space<vmem>>, vector<16xi32>,
    %swap3A_239 = vector.shape_cast %swap3A_238 : vector<16xi32> to vector<16xi32>
    %swap3A_240 = vector.shape_cast %convert_element_type3A_236 : vector<16xi32> to vector<16xi32>
    tpu.vector_store %arg6[%swap3A_237], %swap3A_240 {strides = array<i32>} : memref<512xi32, #tpu.memory_space<vmem>>, vector<16xi32>,
    %get3A_241 = arith.constant 144 : index
    %get3A_242 = tpu.vector_load %arg5[%get3A_241] {strides = array<i32>} : memref<512xf32, #tpu.memory_space<vmem>>, vector<16xf32>,
    %get3A_243 = vector.shape_cast %get3A_242 : vector<16xf32> to vector<16xf32>
    %add3A_244 = arith.constant 0x4B400000 : f32
    %add3A_245 = vector.broadcast %add3A_244 : f32 to vector<16xf32>
    %add3A_246 = arith.addf %get3A_243, %add3A_245 : vector<16xf32>
    %sub3A_247 = arith.constant 0x4B400000 : f32
    %sub3A_248 = vector.broadcast %sub3A_247 : f32 to vector<16xf32>
    %sub3A_249 = arith.subf %add3A_246, %sub3A_248 : vector<16xf32>
    %max3A_250 = arith.constant -1.000000e+02 : f32
    %max3A_251 = vector.broadcast %max3A_250 : f32 to vector<16xf32>
    %max3A_252 = arith.maximumf %sub3A_249, %max3A_251 : vector<16xf32>
    %min3A_253 = arith.constant 1.000000e+02 : f32
    %min3A_254 = vector.broadcast %min3A_253 : f32 to vector<16xf32>
    %min3A_255 = arith.minimumf %max3A_252, %min3A_254 : vector<16xf32>
    %add3A_256 = arith.constant 1.000000e+02 : f32
    %add3A_257 = vector.broadcast %add3A_256 : f32 to vector<16xf32>
    %add3A_258 = arith.addf %min3A_255, %add3A_257 : vector<16xf32>
    %convert_element_type3A_259 = arith.fptosi %add3A_258 : vector<16xf32> to vector<16xi32>
    %swap3A_260 = arith.constant 144 : index
    %swap3A_261 = tpu.vector_load %arg6[%swap3A_260] {strides = array<i32>} : memref<512xi32, #tpu.memory_space<vmem>>, vector<16xi32>,
    %swap3A_262 = vector.shape_cast %swap3A_261 : vector<16xi32> to vector<16xi32>
    %swap3A_263 = vector.shape_cast %convert_element_type3A_259 : vector<16xi32> to vector<16xi32>
    tpu.vector_store %arg6[%swap3A_260], %swap3A_263 {strides = array<i32>} : memref<512xi32, #tpu.memory_space<vmem>>, vector<16xi32>,
    %get3A_264 = arith.constant 160 : index
    %get3A_265 = tpu.vector_load %arg5[%get3A_264] {strides = array<i32>} : memref<512xf32, #tpu.memory_space<vmem>>, vector<16xf32>,
    %get3A_266 = vector.shape_cast %get3A_265 : vector<16xf32> to vector<16xf32>
    %add3A_267 = arith.constant 0x4B400000 : f32
    %add3A_268 = vector.broadcast %add3A_267 : f32 to vector<16xf32>
    %add3A_269 = arith.addf %get3A_266, %add3A_268 : vector<16xf32>
    %sub3A_270 = arith.constant 0x4B400000 : f32
    %sub3A_271 = vector.broadcast %sub3A_270 : f32 to vector<16xf32>
    %sub3A_272 = arith.subf %add3A_269, %sub3A_271 : vector<16xf32>
    %max3A_273 = arith.constant -1.000000e+02 : f32
    %max3A_274 = vector.broadcast %max3A_273 : f32 to vector<16xf32>
    %max3A_275 = arith.maximumf %sub3A_272, %max3A_274 : vector<16xf32>
    %min3A_276 = arith.constant 1.000000e+02 : f32
    %min3A_277 = vector.broadcast %min3A_276 : f32 to vector<16xf32>
    %min3A_278 = arith.minimumf %max3A_275, %min3A_277 : vector<16xf32>
    %add3A_279 = arith.constant 1.000000e+02 : f32
    %add3A_280 = vector.broadcast %add3A_279 : f32 to vector<16xf32>
    %add3A_281 = arith.addf %min3A_278, %add3A_280 : vector<16xf32>
    %convert_element_type3A_282 = arith.fptosi %add3A_281 : vector<16xf32> to vector<16xi32>
    %swap3A_283 = arith.constant 160 : index
    %swap3A_284 = tpu.vector_load %arg6[%swap3A_283] {strides = array<i32>} : memref<512xi32, #tpu.memory_space<vmem>>, vector<16xi32>,
    %swap3A_285 = vector.shape_cast %swap3A_284 : vector<16xi32> to vector<16xi32>
    %swap3A_286 = vector.shape_cast %convert_element_type3A_282 : vector<16xi32> to vector<16xi32>
    tpu.vector_store %arg6[%swap3A_283], %swap3A_286 {strides = array<i32>} : memref<512xi32, #tpu.memory_space<vmem>>, vector<16xi32>,
    %get3A_287 = arith.constant 176 : index
    %get3A_288 = tpu.vector_load %arg5[%get3A_287] {strides = array<i32>} : memref<512xf32, #tpu.memory_space<vmem>>, vector<16xf32>,
    %get3A_289 = vector.shape_cast %get3A_288 : vector<16xf32> to vector<16xf32>
    %add3A_290 = arith.constant 0x4B400000 : f32
    %add3A_291 = vector.broadcast %add3A_290 : f32 to vector<16xf32>
    %add3A_292 = arith.addf %get3A_289, %add3A_291 : vector<16xf32>
    %sub3A_293 = arith.constant 0x4B400000 : f32
    %sub3A_294 = vector.broadcast %sub3A_293 : f32 to vector<16xf32>
    %sub3A_295 = arith.subf %add3A_292, %sub3A_294 : vector<16xf32>
    %max3A_296 = arith.constant -1.000000e+02 : f32
    %max3A_297 = vector.broadcast %max3A_296 : f32 to vector<16xf32>
    %max3A_298 = arith.maximumf %sub3A_295, %max3A_297 : vector<16xf32>
    %min3A_299 = arith.constant 1.000000e+02 : f32
    %min3A_300 = vector.broadcast %min3A_299 : f32 to vector<16xf32>
    %min3A_301 = arith.minimumf %max3A_298, %min3A_300 : vector<16xf32>
    %add3A_302 = arith.constant 1.000000e+02 : f32
    %add3A_303 = vector.broadcast %add3A_302 : f32 to vector<16xf32>
    %add3A_304 = arith.addf %min3A_301, %add3A_303 : vector<16xf32>
    %convert_element_type3A_305 = arith.fptosi %add3A_304 : vector<16xf32> to vector<16xi32>
    %swap3A_306 = arith.constant 176 : index
    %swap3A_307 = tpu.vector_load %arg6[%swap3A_306] {strides = array<i32>} : memref<512xi32, #tpu.memory_space<vmem>>, vector<16xi32>,
    %swap3A_308 = vector.shape_cast %swap3A_307 : vector<16xi32> to vector<16xi32>
    %swap3A_309 = vector.shape_cast %convert_element_type3A_305 : vector<16xi32> to vector<16xi32>
    tpu.vector_store %arg6[%swap3A_306], %swap3A_309 {strides = array<i32>} : memref<512xi32, #tpu.memory_space<vmem>>, vector<16xi32>,
    %dma_start3A_310 = arith.constant 128 : i32
    %dma_start3A_311 = arith.constant 0 : i32
    %dma_start3A_312 = tpu.memref_slice %arg7[%dma_start3A_310, %dma_start3A_311] : memref<512x128xf32, #tpu.memory_space<vmem>> -> memref<64x128xf32, #tpu.memory_space<vmem>>
    %dma_start3A_313 = arith.constant 128 : i32
    %dma_start3A_314 = tpu.memref_slice %arg6[%dma_start3A_313] : memref<512xi32, #tpu.memory_space<vmem>> -> memref<64xi32, #tpu.memory_space<vmem>>
    %dma_start3A_315 = arith.constant 0 : i32
    %dma_start3A_316 = arith.constant 0 : i32
    %dma_start3A_317 = tpu.memref_slice %arg8[%dma_start3A_315, %dma_start3A_316] : memref<201x128xf32, #tpu.memory_space<vmem_shared>> -> memref<201x128xf32, #tpu.memory_space<vmem_shared>>
    tpu.enqueue_indirect_dma source(%dma_start3A_317 : memref<201x128xf32, #tpu.memory_space<vmem_shared>>) target(%dma_start3A_312 : memref<64x128xf32, #tpu.memory_space<vmem>>) offsets(%dma_start3A_314 : memref<64xi32, #tpu.memory_space<vmem>>) semaphore(%arg9 : memref<!tpu.dma_semaphore, #tpu.memory_space<semaphore_mem>>)
    %dma_wait3A_318 = arith.constant 64 : i32
    %dma_wait3A_319 = arith.constant 0 : i32
    %dma_wait3A_320 = tpu.memref_slice %arg7[%dma_wait3A_318, %dma_wait3A_319] : memref<512x128xf32, #tpu.memory_space<vmem>> -> memref<64x128xf32, #tpu.memory_space<vmem>>
    %dma_wait3A_321 = arith.constant 64 : i32
    %dma_wait3A_322 = tpu.memref_slice %arg6[%dma_wait3A_321] : memref<512xi32, #tpu.memory_space<vmem>> -> memref<64xi32, #tpu.memory_space<vmem>>
    %dma_wait3A_323 = arith.constant 0 : i32
    %dma_wait3A_324 = arith.constant 0 : i32
    %dma_wait3A_325 = tpu.memref_slice %arg8[%dma_wait3A_323, %dma_wait3A_324] : memref<201x128xf32, #tpu.memory_space<vmem_shared>> -> memref<201x128xf32, #tpu.memory_space<vmem_shared>>
    tpu.wait_indirect_dma semaphore(%arg10 : memref<!tpu.dma_semaphore, #tpu.memory_space<semaphore_mem>>) src(%dma_wait3A_325 : memref<201x128xf32, #tpu.memory_space<vmem_shared>>) dst(%dma_wait3A_320 : memref<64x128xf32, #tpu.memory_space<vmem>>)
    %add3A_326 = arith.constant 64 : i32
    %add3A_327 = arith.addi %mul3A_2, %add3A_326 : i32
    %dma_start3A_328 = arith.constant 64 : i32
    %dma_start3A_329 = arith.constant 0 : i32
    %dma_start3A_330 = tpu.memref_slice %arg7[%dma_start3A_328, %dma_start3A_329] : memref<512x128xf32, #tpu.memory_space<vmem>> -> memref<64x128xf32, #tpu.memory_space<vmem>>
    %dma_start3A_331 = arith.constant 0 : i32
    %dma_start3A_332 = tpu.memref_slice %arg4[%add3A_327, %dma_start3A_331] : memref<16384x128xf32, #tpu.memory_space<hbm>> -> memref<64x128xf32, #tpu.memory_space<hbm>>
    %dma_start3A_333 = arith.constant 0 : i32
    %dma_start3A_334 = tpu.memref_slice %arg4[%add3A_327, %dma_start3A_333] : memref<16384x128xf32, #tpu.memory_space<hbm>> -> memref<64x128xf32, #tpu.memory_space<hbm>>
    %dma_start3A_335 = arith.constant 64 : i32
    %dma_start3A_336 = arith.constant 0 : i32
    %dma_start3A_337 = tpu.memref_slice %arg7[%dma_start3A_335, %dma_start3A_336] : memref<512x128xf32, #tpu.memory_space<vmem>> -> memref<64x128xf32, #tpu.memory_space<vmem>>
    tpu.enqueue_dma source(%dma_start3A_337 : memref<64x128xf32, #tpu.memory_space<vmem>>) target(%dma_start3A_334 : memref<64x128xf32, #tpu.memory_space<hbm>>) target_semaphore(%arg11 : memref<!tpu.dma_semaphore, #tpu.memory_space<semaphore_mem>>)
    %get3A_338 = arith.constant 192 : index
    %get3A_339 = tpu.vector_load %arg5[%get3A_338] {strides = array<i32>} : memref<512xf32, #tpu.memory_space<vmem>>, vector<16xf32>,
    %get3A_340 = vector.shape_cast %get3A_339 : vector<16xf32> to vector<16xf32>
    %add3A_341 = arith.constant 0x4B400000 : f32
    %add3A_342 = vector.broadcast %add3A_341 : f32 to vector<16xf32>
    %add3A_343 = arith.addf %get3A_340, %add3A_342 : vector<16xf32>
    %sub3A_344 = arith.constant 0x4B400000 : f32
    %sub3A_345 = vector.broadcast %sub3A_344 : f32 to vector<16xf32>
    %sub3A_346 = arith.subf %add3A_343, %sub3A_345 : vector<16xf32>
    %max3A_347 = arith.constant -1.000000e+02 : f32
    %max3A_348 = vector.broadcast %max3A_347 : f32 to vector<16xf32>
    %max3A_349 = arith.maximumf %sub3A_346, %max3A_348 : vector<16xf32>
    %min3A_350 = arith.constant 1.000000e+02 : f32
    %min3A_351 = vector.broadcast %min3A_350 : f32 to vector<16xf32>
    %min3A_352 = arith.minimumf %max3A_349, %min3A_351 : vector<16xf32>
    %add3A_353 = arith.constant 1.000000e+02 : f32
    %add3A_354 = vector.broadcast %add3A_353 : f32 to vector<16xf32>
    %add3A_355 = arith.addf %min3A_352, %add3A_354 : vector<16xf32>
    %convert_element_type3A_356 = arith.fptosi %add3A_355 : vector<16xf32> to vector<16xi32>
    %swap3A_357 = arith.constant 192 : index
    %swap3A_358 = tpu.vector_load %arg6[%swap3A_357] {strides = array<i32>} : memref<512xi32, #tpu.memory_space<vmem>>, vector<16xi32>,
    %swap3A_359 = vector.shape_cast %swap3A_358 : vector<16xi32> to vector<16xi32>
    %swap3A_360 = vector.shape_cast %convert_element_type3A_356 : vector<16xi32> to vector<16xi32>
    tpu.vector_store %arg6[%swap3A_357], %swap3A_360 {strides = array<i32>} : memref<512xi32, #tpu.memory_space<vmem>>, vector<16xi32>,
    %get3A_361 = arith.constant 208 : index
    %get3A_362 = tpu.vector_load %arg5[%get3A_361] {strides = array<i32>} : memref<512xf32, #tpu.memory_space<vmem>>, vector<16xf32>,
    %get3A_363 = vector.shape_cast %get3A_362 : vector<16xf32> to vector<16xf32>
    %add3A_364 = arith.constant 0x4B400000 : f32
    %add3A_365 = vector.broadcast %add3A_364 : f32 to vector<16xf32>
    %add3A_366 = arith.addf %get3A_363, %add3A_365 : vector<16xf32>
    %sub3A_367 = arith.constant 0x4B400000 : f32
    %sub3A_368 = vector.broadcast %sub3A_367 : f32 to vector<16xf32>
    %sub3A_369 = arith.subf %add3A_366, %sub3A_368 : vector<16xf32>
    %max3A_370 = arith.constant -1.000000e+02 : f32
    %max3A_371 = vector.broadcast %max3A_370 : f32 to vector<16xf32>
    %max3A_372 = arith.maximumf %sub3A_369, %max3A_371 : vector<16xf32>
    %min3A_373 = arith.constant 1.000000e+02 : f32
    %min3A_374 = vector.broadcast %min3A_373 : f32 to vector<16xf32>
    %min3A_375 = arith.minimumf %max3A_372, %min3A_374 : vector<16xf32>
    %add3A_376 = arith.constant 1.000000e+02 : f32
    %add3A_377 = vector.broadcast %add3A_376 : f32 to vector<16xf32>
    %add3A_378 = arith.addf %min3A_375, %add3A_377 : vector<16xf32>
    %convert_element_type3A_379 = arith.fptosi %add3A_378 : vector<16xf32> to vector<16xi32>
    %swap3A_380 = arith.constant 208 : index
    %swap3A_381 = tpu.vector_load %arg6[%swap3A_380] {strides = array<i32>} : memref<512xi32, #tpu.memory_space<vmem>>, vector<16xi32>,
    %swap3A_382 = vector.shape_cast %swap3A_381 : vector<16xi32> to vector<16xi32>
    %swap3A_383 = vector.shape_cast %convert_element_type3A_379 : vector<16xi32> to vector<16xi32>
    tpu.vector_store %arg6[%swap3A_380], %swap3A_383 {strides = array<i32>} : memref<512xi32, #tpu.memory_space<vmem>>, vector<16xi32>,
    %get3A_384 = arith.constant 224 : index
    %get3A_385 = tpu.vector_load %arg5[%get3A_384] {strides = array<i32>} : memref<512xf32, #tpu.memory_space<vmem>>, vector<16xf32>,
    %get3A_386 = vector.shape_cast %get3A_385 : vector<16xf32> to vector<16xf32>
    %add3A_387 = arith.constant 0x4B400000 : f32
    %add3A_388 = vector.broadcast %add3A_387 : f32 to vector<16xf32>
    %add3A_389 = arith.addf %get3A_386, %add3A_388 : vector<16xf32>
    %sub3A_390 = arith.constant 0x4B400000 : f32
    %sub3A_391 = vector.broadcast %sub3A_390 : f32 to vector<16xf32>
    %sub3A_392 = arith.subf %add3A_389, %sub3A_391 : vector<16xf32>
    %max3A_393 = arith.constant -1.000000e+02 : f32
    %max3A_394 = vector.broadcast %max3A_393 : f32 to vector<16xf32>
    %max3A_395 = arith.maximumf %sub3A_392, %max3A_394 : vector<16xf32>
    %min3A_396 = arith.constant 1.000000e+02 : f32
    %min3A_397 = vector.broadcast %min3A_396 : f32 to vector<16xf32>
    %min3A_398 = arith.minimumf %max3A_395, %min3A_397 : vector<16xf32>
    %add3A_399 = arith.constant 1.000000e+02 : f32
    %add3A_400 = vector.broadcast %add3A_399 : f32 to vector<16xf32>
    %add3A_401 = arith.addf %min3A_398, %add3A_400 : vector<16xf32>
    %convert_element_type3A_402 = arith.fptosi %add3A_401 : vector<16xf32> to vector<16xi32>
    %swap3A_403 = arith.constant 224 : index
    %swap3A_404 = tpu.vector_load %arg6[%swap3A_403] {strides = array<i32>} : memref<512xi32, #tpu.memory_space<vmem>>, vector<16xi32>,
    %swap3A_405 = vector.shape_cast %swap3A_404 : vector<16xi32> to vector<16xi32>
    %swap3A_406 = vector.shape_cast %convert_element_type3A_402 : vector<16xi32> to vector<16xi32>
    tpu.vector_store %arg6[%swap3A_403], %swap3A_406 {strides = array<i32>} : memref<512xi32, #tpu.memory_space<vmem>>, vector<16xi32>,
    %get3A_407 = arith.constant 240 : index
    %get3A_408 = tpu.vector_load %arg5[%get3A_407] {strides = array<i32>} : memref<512xf32, #tpu.memory_space<vmem>>, vector<16xf32>,
    %get3A_409 = vector.shape_cast %get3A_408 : vector<16xf32> to vector<16xf32>
    %add3A_410 = arith.constant 0x4B400000 : f32
    %add3A_411 = vector.broadcast %add3A_410 : f32 to vector<16xf32>
    %add3A_412 = arith.addf %get3A_409, %add3A_411 : vector<16xf32>
    %sub3A_413 = arith.constant 0x4B400000 : f32
    %sub3A_414 = vector.broadcast %sub3A_413 : f32 to vector<16xf32>
    %sub3A_415 = arith.subf %add3A_412, %sub3A_414 : vector<16xf32>
    %max3A_416 = arith.constant -1.000000e+02 : f32
    %max3A_417 = vector.broadcast %max3A_416 : f32 to vector<16xf32>
    %max3A_418 = arith.maximumf %sub3A_415, %max3A_417 : vector<16xf32>
    %min3A_419 = arith.constant 1.000000e+02 : f32
    %min3A_420 = vector.broadcast %min3A_419 : f32 to vector<16xf32>
    %min3A_421 = arith.minimumf %max3A_418, %min3A_420 : vector<16xf32>
    %add3A_422 = arith.constant 1.000000e+02 : f32
    %add3A_423 = vector.broadcast %add3A_422 : f32 to vector<16xf32>
    %add3A_424 = arith.addf %min3A_421, %add3A_423 : vector<16xf32>
    %convert_element_type3A_425 = arith.fptosi %add3A_424 : vector<16xf32> to vector<16xi32>
    %swap3A_426 = arith.constant 240 : index
    %swap3A_427 = tpu.vector_load %arg6[%swap3A_426] {strides = array<i32>} : memref<512xi32, #tpu.memory_space<vmem>>, vector<16xi32>,
    %swap3A_428 = vector.shape_cast %swap3A_427 : vector<16xi32> to vector<16xi32>
    %swap3A_429 = vector.shape_cast %convert_element_type3A_425 : vector<16xi32> to vector<16xi32>
    tpu.vector_store %arg6[%swap3A_426], %swap3A_429 {strides = array<i32>} : memref<512xi32, #tpu.memory_space<vmem>>, vector<16xi32>,
    %dma_start3A_430 = arith.constant 192 : i32
    %dma_start3A_431 = arith.constant 0 : i32
    %dma_start3A_432 = tpu.memref_slice %arg7[%dma_start3A_430, %dma_start3A_431] : memref<512x128xf32, #tpu.memory_space<vmem>> -> memref<64x128xf32, #tpu.memory_space<vmem>>
    %dma_start3A_433 = arith.constant 192 : i32
    %dma_start3A_434 = tpu.memref_slice %arg6[%dma_start3A_433] : memref<512xi32, #tpu.memory_space<vmem>> -> memref<64xi32, #tpu.memory_space<vmem>>
    %dma_start3A_435 = arith.constant 0 : i32
    %dma_start3A_436 = arith.constant 0 : i32
    %dma_start3A_437 = tpu.memref_slice %arg8[%dma_start3A_435, %dma_start3A_436] : memref<201x128xf32, #tpu.memory_space<vmem_shared>> -> memref<201x128xf32, #tpu.memory_space<vmem_shared>>
    tpu.enqueue_indirect_dma source(%dma_start3A_437 : memref<201x128xf32, #tpu.memory_space<vmem_shared>>) target(%dma_start3A_432 : memref<64x128xf32, #tpu.memory_space<vmem>>) offsets(%dma_start3A_434 : memref<64xi32, #tpu.memory_space<vmem>>) semaphore(%arg10 : memref<!tpu.dma_semaphore, #tpu.memory_space<semaphore_mem>>)
    %dma_wait3A_438 = arith.constant 128 : i32
    %dma_wait3A_439 = arith.constant 0 : i32
    %dma_wait3A_440 = tpu.memref_slice %arg7[%dma_wait3A_438, %dma_wait3A_439] : memref<512x128xf32, #tpu.memory_space<vmem>> -> memref<64x128xf32, #tpu.memory_space<vmem>>
    %dma_wait3A_441 = arith.constant 128 : i32
    %dma_wait3A_442 = tpu.memref_slice %arg6[%dma_wait3A_441] : memref<512xi32, #tpu.memory_space<vmem>> -> memref<64xi32, #tpu.memory_space<vmem>>
    %dma_wait3A_443 = arith.constant 0 : i32
    %dma_wait3A_444 = arith.constant 0 : i32
    %dma_wait3A_445 = tpu.memref_slice %arg8[%dma_wait3A_443, %dma_wait3A_444] : memref<201x128xf32, #tpu.memory_space<vmem_shared>> -> memref<201x128xf32, #tpu.memory_space<vmem_shared>>
    tpu.wait_indirect_dma semaphore(%arg9 : memref<!tpu.dma_semaphore, #tpu.memory_space<semaphore_mem>>) src(%dma_wait3A_445 : memref<201x128xf32, #tpu.memory_space<vmem_shared>>) dst(%dma_wait3A_440 : memref<64x128xf32, #tpu.memory_space<vmem>>)
    %add3A_446 = arith.constant 128 : i32
    %add3A_447 = arith.addi %mul3A_2, %add3A_446 : i32
    %dma_start3A_448 = arith.constant 128 : i32
    %dma_start3A_449 = arith.constant 0 : i32
    %dma_start3A_450 = tpu.memref_slice %arg7[%dma_start3A_448, %dma_start3A_449] : memref<512x128xf32, #tpu.memory_space<vmem>> -> memref<64x128xf32, #tpu.memory_space<vmem>>
    %dma_start3A_451 = arith.constant 0 : i32
    %dma_start3A_452 = tpu.memref_slice %arg4[%add3A_447, %dma_start3A_451] : memref<16384x128xf32, #tpu.memory_space<hbm>> -> memref<64x128xf32, #tpu.memory_space<hbm>>
    %dma_start3A_453 = arith.constant 0 : i32
    %dma_start3A_454 = tpu.memref_slice %arg4[%add3A_447, %dma_start3A_453] : memref<16384x128xf32, #tpu.memory_space<hbm>> -> memref<64x128xf32, #tpu.memory_space<hbm>>
    %dma_start3A_455 = arith.constant 128 : i32
    %dma_start3A_456 = arith.constant 0 : i32
    %dma_start3A_457 = tpu.memref_slice %arg7[%dma_start3A_455, %dma_start3A_456] : memref<512x128xf32, #tpu.memory_space<vmem>> -> memref<64x128xf32, #tpu.memory_space<vmem>>
    tpu.enqueue_dma source(%dma_start3A_457 : memref<64x128xf32, #tpu.memory_space<vmem>>) target(%dma_start3A_454 : memref<64x128xf32, #tpu.memory_space<hbm>>) target_semaphore(%arg11 : memref<!tpu.dma_semaphore, #tpu.memory_space<semaphore_mem>>)
    %get3A_458 = arith.constant 256 : index
    %get3A_459 = tpu.vector_load %arg5[%get3A_458] {strides = array<i32>} : memref<512xf32, #tpu.memory_space<vmem>>, vector<16xf32>,
    %get3A_460 = vector.shape_cast %get3A_459 : vector<16xf32> to vector<16xf32>
    %add3A_461 = arith.constant 0x4B400000 : f32
    %add3A_462 = vector.broadcast %add3A_461 : f32 to vector<16xf32>
    %add3A_463 = arith.addf %get3A_460, %add3A_462 : vector<16xf32>
    %sub3A_464 = arith.constant 0x4B400000 : f32
    %sub3A_465 = vector.broadcast %sub3A_464 : f32 to vector<16xf32>
    %sub3A_466 = arith.subf %add3A_463, %sub3A_465 : vector<16xf32>
    %max3A_467 = arith.constant -1.000000e+02 : f32
    %max3A_468 = vector.broadcast %max3A_467 : f32 to vector<16xf32>
    %max3A_469 = arith.maximumf %sub3A_466, %max3A_468 : vector<16xf32>
    %min3A_470 = arith.constant 1.000000e+02 : f32
    %min3A_471 = vector.broadcast %min3A_470 : f32 to vector<16xf32>
    %min3A_472 = arith.minimumf %max3A_469, %min3A_471 : vector<16xf32>
    %add3A_473 = arith.constant 1.000000e+02 : f32
    %add3A_474 = vector.broadcast %add3A_473 : f32 to vector<16xf32>
    %add3A_475 = arith.addf %min3A_472, %add3A_474 : vector<16xf32>
    %convert_element_type3A_476 = arith.fptosi %add3A_475 : vector<16xf32> to vector<16xi32>
    %swap3A_477 = arith.constant 256 : index
    %swap3A_478 = tpu.vector_load %arg6[%swap3A_477] {strides = array<i32>} : memref<512xi32, #tpu.memory_space<vmem>>, vector<16xi32>,
    %swap3A_479 = vector.shape_cast %swap3A_478 : vector<16xi32> to vector<16xi32>
    %swap3A_480 = vector.shape_cast %convert_element_type3A_476 : vector<16xi32> to vector<16xi32>
    tpu.vector_store %arg6[%swap3A_477], %swap3A_480 {strides = array<i32>} : memref<512xi32, #tpu.memory_space<vmem>>, vector<16xi32>,
    %get3A_481 = arith.constant 272 : index
    %get3A_482 = tpu.vector_load %arg5[%get3A_481] {strides = array<i32>} : memref<512xf32, #tpu.memory_space<vmem>>, vector<16xf32>,
    %get3A_483 = vector.shape_cast %get3A_482 : vector<16xf32> to vector<16xf32>
    %add3A_484 = arith.constant 0x4B400000 : f32
    %add3A_485 = vector.broadcast %add3A_484 : f32 to vector<16xf32>
    %add3A_486 = arith.addf %get3A_483, %add3A_485 : vector<16xf32>
    %sub3A_487 = arith.constant 0x4B400000 : f32
    %sub3A_488 = vector.broadcast %sub3A_487 : f32 to vector<16xf32>
    %sub3A_489 = arith.subf %add3A_486, %sub3A_488 : vector<16xf32>
    %max3A_490 = arith.constant -1.000000e+02 : f32
    %max3A_491 = vector.broadcast %max3A_490 : f32 to vector<16xf32>
    %max3A_492 = arith.maximumf %sub3A_489, %max3A_491 : vector<16xf32>
    %min3A_493 = arith.constant 1.000000e+02 : f32
    %min3A_494 = vector.broadcast %min3A_493 : f32 to vector<16xf32>
    %min3A_495 = arith.minimumf %max3A_492, %min3A_494 : vector<16xf32>
    %add3A_496 = arith.constant 1.000000e+02 : f32
    %add3A_497 = vector.broadcast %add3A_496 : f32 to vector<16xf32>
    %add3A_498 = arith.addf %min3A_495, %add3A_497 : vector<16xf32>
    %convert_element_type3A_499 = arith.fptosi %add3A_498 : vector<16xf32> to vector<16xi32>
    %swap3A_500 = arith.constant 272 : index
    %swap3A_501 = tpu.vector_load %arg6[%swap3A_500] {strides = array<i32>} : memref<512xi32, #tpu.memory_space<vmem>>, vector<16xi32>,
    %swap3A_502 = vector.shape_cast %swap3A_501 : vector<16xi32> to vector<16xi32>
    %swap3A_503 = vector.shape_cast %convert_element_type3A_499 : vector<16xi32> to vector<16xi32>
    tpu.vector_store %arg6[%swap3A_500], %swap3A_503 {strides = array<i32>} : memref<512xi32, #tpu.memory_space<vmem>>, vector<16xi32>,
    %get3A_504 = arith.constant 288 : index
    %get3A_505 = tpu.vector_load %arg5[%get3A_504] {strides = array<i32>} : memref<512xf32, #tpu.memory_space<vmem>>, vector<16xf32>,
    %get3A_506 = vector.shape_cast %get3A_505 : vector<16xf32> to vector<16xf32>
    %add3A_507 = arith.constant 0x4B400000 : f32
    %add3A_508 = vector.broadcast %add3A_507 : f32 to vector<16xf32>
    %add3A_509 = arith.addf %get3A_506, %add3A_508 : vector<16xf32>
    %sub3A_510 = arith.constant 0x4B400000 : f32
    %sub3A_511 = vector.broadcast %sub3A_510 : f32 to vector<16xf32>
    %sub3A_512 = arith.subf %add3A_509, %sub3A_511 : vector<16xf32>
    %max3A_513 = arith.constant -1.000000e+02 : f32
    %max3A_514 = vector.broadcast %max3A_513 : f32 to vector<16xf32>
    %max3A_515 = arith.maximumf %sub3A_512, %max3A_514 : vector<16xf32>
    %min3A_516 = arith.constant 1.000000e+02 : f32
    %min3A_517 = vector.broadcast %min3A_516 : f32 to vector<16xf32>
    %min3A_518 = arith.minimumf %max3A_515, %min3A_517 : vector<16xf32>
    %add3A_519 = arith.constant 1.000000e+02 : f32
    %add3A_520 = vector.broadcast %add3A_519 : f32 to vector<16xf32>
    %add3A_521 = arith.addf %min3A_518, %add3A_520 : vector<16xf32>
    %convert_element_type3A_522 = arith.fptosi %add3A_521 : vector<16xf32> to vector<16xi32>
    %swap3A_523 = arith.constant 288 : index
    %swap3A_524 = tpu.vector_load %arg6[%swap3A_523] {strides = array<i32>} : memref<512xi32, #tpu.memory_space<vmem>>, vector<16xi32>,
    %swap3A_525 = vector.shape_cast %swap3A_524 : vector<16xi32> to vector<16xi32>
    %swap3A_526 = vector.shape_cast %convert_element_type3A_522 : vector<16xi32> to vector<16xi32>
    tpu.vector_store %arg6[%swap3A_523], %swap3A_526 {strides = array<i32>} : memref<512xi32, #tpu.memory_space<vmem>>, vector<16xi32>,
    %get3A_527 = arith.constant 304 : index
    %get3A_528 = tpu.vector_load %arg5[%get3A_527] {strides = array<i32>} : memref<512xf32, #tpu.memory_space<vmem>>, vector<16xf32>,
    %get3A_529 = vector.shape_cast %get3A_528 : vector<16xf32> to vector<16xf32>
    %add3A_530 = arith.constant 0x4B400000 : f32
    %add3A_531 = vector.broadcast %add3A_530 : f32 to vector<16xf32>
    %add3A_532 = arith.addf %get3A_529, %add3A_531 : vector<16xf32>
    %sub3A_533 = arith.constant 0x4B400000 : f32
    %sub3A_534 = vector.broadcast %sub3A_533 : f32 to vector<16xf32>
    %sub3A_535 = arith.subf %add3A_532, %sub3A_534 : vector<16xf32>
    %max3A_536 = arith.constant -1.000000e+02 : f32
    %max3A_537 = vector.broadcast %max3A_536 : f32 to vector<16xf32>
    %max3A_538 = arith.maximumf %sub3A_535, %max3A_537 : vector<16xf32>
    %min3A_539 = arith.constant 1.000000e+02 : f32
    %min3A_540 = vector.broadcast %min3A_539 : f32 to vector<16xf32>
    %min3A_541 = arith.minimumf %max3A_538, %min3A_540 : vector<16xf32>
    %add3A_542 = arith.constant 1.000000e+02 : f32
    %add3A_543 = vector.broadcast %add3A_542 : f32 to vector<16xf32>
    %add3A_544 = arith.addf %min3A_541, %add3A_543 : vector<16xf32>
    %convert_element_type3A_545 = arith.fptosi %add3A_544 : vector<16xf32> to vector<16xi32>
    %swap3A_546 = arith.constant 304 : index
    %swap3A_547 = tpu.vector_load %arg6[%swap3A_546] {strides = array<i32>} : memref<512xi32, #tpu.memory_space<vmem>>, vector<16xi32>,
    %swap3A_548 = vector.shape_cast %swap3A_547 : vector<16xi32> to vector<16xi32>
    %swap3A_549 = vector.shape_cast %convert_element_type3A_545 : vector<16xi32> to vector<16xi32>
    tpu.vector_store %arg6[%swap3A_546], %swap3A_549 {strides = array<i32>} : memref<512xi32, #tpu.memory_space<vmem>>, vector<16xi32>,
    %dma_start3A_550 = arith.constant 256 : i32
    %dma_start3A_551 = arith.constant 0 : i32
    %dma_start3A_552 = tpu.memref_slice %arg7[%dma_start3A_550, %dma_start3A_551] : memref<512x128xf32, #tpu.memory_space<vmem>> -> memref<64x128xf32, #tpu.memory_space<vmem>>
    %dma_start3A_553 = arith.constant 256 : i32
    %dma_start3A_554 = tpu.memref_slice %arg6[%dma_start3A_553] : memref<512xi32, #tpu.memory_space<vmem>> -> memref<64xi32, #tpu.memory_space<vmem>>
    %dma_start3A_555 = arith.constant 0 : i32
    %dma_start3A_556 = arith.constant 0 : i32
    %dma_start3A_557 = tpu.memref_slice %arg8[%dma_start3A_555, %dma_start3A_556] : memref<201x128xf32, #tpu.memory_space<vmem_shared>> -> memref<201x128xf32, #tpu.memory_space<vmem_shared>>
    tpu.enqueue_indirect_dma source(%dma_start3A_557 : memref<201x128xf32, #tpu.memory_space<vmem_shared>>) target(%dma_start3A_552 : memref<64x128xf32, #tpu.memory_space<vmem>>) offsets(%dma_start3A_554 : memref<64xi32, #tpu.memory_space<vmem>>) semaphore(%arg9 : memref<!tpu.dma_semaphore, #tpu.memory_space<semaphore_mem>>)
    %dma_wait3A_558 = arith.constant 192 : i32
    %dma_wait3A_559 = arith.constant 0 : i32
    %dma_wait3A_560 = tpu.memref_slice %arg7[%dma_wait3A_558, %dma_wait3A_559] : memref<512x128xf32, #tpu.memory_space<vmem>> -> memref<64x128xf32, #tpu.memory_space<vmem>>
    %dma_wait3A_561 = arith.constant 192 : i32
    %dma_wait3A_562 = tpu.memref_slice %arg6[%dma_wait3A_561] : memref<512xi32, #tpu.memory_space<vmem>> -> memref<64xi32, #tpu.memory_space<vmem>>
    %dma_wait3A_563 = arith.constant 0 : i32
    %dma_wait3A_564 = arith.constant 0 : i32
    %dma_wait3A_565 = tpu.memref_slice %arg8[%dma_wait3A_563, %dma_wait3A_564] : memref<201x128xf32, #tpu.memory_space<vmem_shared>> -> memref<201x128xf32, #tpu.memory_space<vmem_shared>>
    tpu.wait_indirect_dma semaphore(%arg10 : memref<!tpu.dma_semaphore, #tpu.memory_space<semaphore_mem>>) src(%dma_wait3A_565 : memref<201x128xf32, #tpu.memory_space<vmem_shared>>) dst(%dma_wait3A_560 : memref<64x128xf32, #tpu.memory_space<vmem>>)
    %add3A_566 = arith.constant 192 : i32
    %add3A_567 = arith.addi %mul3A_2, %add3A_566 : i32
    %dma_start3A_568 = arith.constant 192 : i32
    %dma_start3A_569 = arith.constant 0 : i32
    %dma_start3A_570 = tpu.memref_slice %arg7[%dma_start3A_568, %dma_start3A_569] : memref<512x128xf32, #tpu.memory_space<vmem>> -> memref<64x128xf32, #tpu.memory_space<vmem>>
    %dma_start3A_571 = arith.constant 0 : i32
    %dma_start3A_572 = tpu.memref_slice %arg4[%add3A_567, %dma_start3A_571] : memref<16384x128xf32, #tpu.memory_space<hbm>> -> memref<64x128xf32, #tpu.memory_space<hbm>>
    %dma_start3A_573 = arith.constant 0 : i32
    %dma_start3A_574 = tpu.memref_slice %arg4[%add3A_567, %dma_start3A_573] : memref<16384x128xf32, #tpu.memory_space<hbm>> -> memref<64x128xf32, #tpu.memory_space<hbm>>
    %dma_start3A_575 = arith.constant 192 : i32
    %dma_start3A_576 = arith.constant 0 : i32
    %dma_start3A_577 = tpu.memref_slice %arg7[%dma_start3A_575, %dma_start3A_576] : memref<512x128xf32, #tpu.memory_space<vmem>> -> memref<64x128xf32, #tpu.memory_space<vmem>>
    tpu.enqueue_dma source(%dma_start3A_577 : memref<64x128xf32, #tpu.memory_space<vmem>>) target(%dma_start3A_574 : memref<64x128xf32, #tpu.memory_space<hbm>>) target_semaphore(%arg11 : memref<!tpu.dma_semaphore, #tpu.memory_space<semaphore_mem>>)
    %get3A_578 = arith.constant 320 : index
    %get3A_579 = tpu.vector_load %arg5[%get3A_578] {strides = array<i32>} : memref<512xf32, #tpu.memory_space<vmem>>, vector<16xf32>,
    %get3A_580 = vector.shape_cast %get3A_579 : vector<16xf32> to vector<16xf32>
    %add3A_581 = arith.constant 0x4B400000 : f32
    %add3A_582 = vector.broadcast %add3A_581 : f32 to vector<16xf32>
    %add3A_583 = arith.addf %get3A_580, %add3A_582 : vector<16xf32>
    %sub3A_584 = arith.constant 0x4B400000 : f32
    %sub3A_585 = vector.broadcast %sub3A_584 : f32 to vector<16xf32>
    %sub3A_586 = arith.subf %add3A_583, %sub3A_585 : vector<16xf32>
    %max3A_587 = arith.constant -1.000000e+02 : f32
    %max3A_588 = vector.broadcast %max3A_587 : f32 to vector<16xf32>
    %max3A_589 = arith.maximumf %sub3A_586, %max3A_588 : vector<16xf32>
    %min3A_590 = arith.constant 1.000000e+02 : f32
    %min3A_591 = vector.broadcast %min3A_590 : f32 to vector<16xf32>
    %min3A_592 = arith.minimumf %max3A_589, %min3A_591 : vector<16xf32>
    %add3A_593 = arith.constant 1.000000e+02 : f32
    %add3A_594 = vector.broadcast %add3A_593 : f32 to vector<16xf32>
    %add3A_595 = arith.addf %min3A_592, %add3A_594 : vector<16xf32>
    %convert_element_type3A_596 = arith.fptosi %add3A_595 : vector<16xf32> to vector<16xi32>
    %swap3A_597 = arith.constant 320 : index
    %swap3A_598 = tpu.vector_load %arg6[%swap3A_597] {strides = array<i32>} : memref<512xi32, #tpu.memory_space<vmem>>, vector<16xi32>,
    %swap3A_599 = vector.shape_cast %swap3A_598 : vector<16xi32> to vector<16xi32>
    %swap3A_600 = vector.shape_cast %convert_element_type3A_596 : vector<16xi32> to vector<16xi32>
    tpu.vector_store %arg6[%swap3A_597], %swap3A_600 {strides = array<i32>} : memref<512xi32, #tpu.memory_space<vmem>>, vector<16xi32>,
    %get3A_601 = arith.constant 336 : index
    %get3A_602 = tpu.vector_load %arg5[%get3A_601] {strides = array<i32>} : memref<512xf32, #tpu.memory_space<vmem>>, vector<16xf32>,
    %get3A_603 = vector.shape_cast %get3A_602 : vector<16xf32> to vector<16xf32>
    %add3A_604 = arith.constant 0x4B400000 : f32
    %add3A_605 = vector.broadcast %add3A_604 : f32 to vector<16xf32>
    %add3A_606 = arith.addf %get3A_603, %add3A_605 : vector<16xf32>
    %sub3A_607 = arith.constant 0x4B400000 : f32
    %sub3A_608 = vector.broadcast %sub3A_607 : f32 to vector<16xf32>
    %sub3A_609 = arith.subf %add3A_606, %sub3A_608 : vector<16xf32>
    %max3A_610 = arith.constant -1.000000e+02 : f32
    %max3A_611 = vector.broadcast %max3A_610 : f32 to vector<16xf32>
    %max3A_612 = arith.maximumf %sub3A_609, %max3A_611 : vector<16xf32>
    %min3A_613 = arith.constant 1.000000e+02 : f32
    %min3A_614 = vector.broadcast %min3A_613 : f32 to vector<16xf32>
    %min3A_615 = arith.minimumf %max3A_612, %min3A_614 : vector<16xf32>
    %add3A_616 = arith.constant 1.000000e+02 : f32
    %add3A_617 = vector.broadcast %add3A_616 : f32 to vector<16xf32>
    %add3A_618 = arith.addf %min3A_615, %add3A_617 : vector<16xf32>
    %convert_element_type3A_619 = arith.fptosi %add3A_618 : vector<16xf32> to vector<16xi32>
    %swap3A_620 = arith.constant 336 : index
    %swap3A_621 = tpu.vector_load %arg6[%swap3A_620] {strides = array<i32>} : memref<512xi32, #tpu.memory_space<vmem>>, vector<16xi32>,
    %swap3A_622 = vector.shape_cast %swap3A_621 : vector<16xi32> to vector<16xi32>
    %swap3A_623 = vector.shape_cast %convert_element_type3A_619 : vector<16xi32> to vector<16xi32>
    tpu.vector_store %arg6[%swap3A_620], %swap3A_623 {strides = array<i32>} : memref<512xi32, #tpu.memory_space<vmem>>, vector<16xi32>,
    %get3A_624 = arith.constant 352 : index
    %get3A_625 = tpu.vector_load %arg5[%get3A_624] {strides = array<i32>} : memref<512xf32, #tpu.memory_space<vmem>>, vector<16xf32>,
    %get3A_626 = vector.shape_cast %get3A_625 : vector<16xf32> to vector<16xf32>
    %add3A_627 = arith.constant 0x4B400000 : f32
    %add3A_628 = vector.broadcast %add3A_627 : f32 to vector<16xf32>
    %add3A_629 = arith.addf %get3A_626, %add3A_628 : vector<16xf32>
    %sub3A_630 = arith.constant 0x4B400000 : f32
    %sub3A_631 = vector.broadcast %sub3A_630 : f32 to vector<16xf32>
    %sub3A_632 = arith.subf %add3A_629, %sub3A_631 : vector<16xf32>
    %max3A_633 = arith.constant -1.000000e+02 : f32
    %max3A_634 = vector.broadcast %max3A_633 : f32 to vector<16xf32>
    %max3A_635 = arith.maximumf %sub3A_632, %max3A_634 : vector<16xf32>
    %min3A_636 = arith.constant 1.000000e+02 : f32
    %min3A_637 = vector.broadcast %min3A_636 : f32 to vector<16xf32>
    %min3A_638 = arith.minimumf %max3A_635, %min3A_637 : vector<16xf32>
    %add3A_639 = arith.constant 1.000000e+02 : f32
    %add3A_640 = vector.broadcast %add3A_639 : f32 to vector<16xf32>
    %add3A_641 = arith.addf %min3A_638, %add3A_640 : vector<16xf32>
    %convert_element_type3A_642 = arith.fptosi %add3A_641 : vector<16xf32> to vector<16xi32>
    %swap3A_643 = arith.constant 352 : index
    %swap3A_644 = tpu.vector_load %arg6[%swap3A_643] {strides = array<i32>} : memref<512xi32, #tpu.memory_space<vmem>>, vector<16xi32>,
    %swap3A_645 = vector.shape_cast %swap3A_644 : vector<16xi32> to vector<16xi32>
    %swap3A_646 = vector.shape_cast %convert_element_type3A_642 : vector<16xi32> to vector<16xi32>
    tpu.vector_store %arg6[%swap3A_643], %swap3A_646 {strides = array<i32>} : memref<512xi32, #tpu.memory_space<vmem>>, vector<16xi32>,
    %get3A_647 = arith.constant 368 : index
    %get3A_648 = tpu.vector_load %arg5[%get3A_647] {strides = array<i32>} : memref<512xf32, #tpu.memory_space<vmem>>, vector<16xf32>,
    %get3A_649 = vector.shape_cast %get3A_648 : vector<16xf32> to vector<16xf32>
    %add3A_650 = arith.constant 0x4B400000 : f32
    %add3A_651 = vector.broadcast %add3A_650 : f32 to vector<16xf32>
    %add3A_652 = arith.addf %get3A_649, %add3A_651 : vector<16xf32>
    %sub3A_653 = arith.constant 0x4B400000 : f32
    %sub3A_654 = vector.broadcast %sub3A_653 : f32 to vector<16xf32>
    %sub3A_655 = arith.subf %add3A_652, %sub3A_654 : vector<16xf32>
    %max3A_656 = arith.constant -1.000000e+02 : f32
    %max3A_657 = vector.broadcast %max3A_656 : f32 to vector<16xf32>
    %max3A_658 = arith.maximumf %sub3A_655, %max3A_657 : vector<16xf32>
    %min3A_659 = arith.constant 1.000000e+02 : f32
    %min3A_660 = vector.broadcast %min3A_659 : f32 to vector<16xf32>
    %min3A_661 = arith.minimumf %max3A_658, %min3A_660 : vector<16xf32>
    %add3A_662 = arith.constant 1.000000e+02 : f32
    %add3A_663 = vector.broadcast %add3A_662 : f32 to vector<16xf32>
    %add3A_664 = arith.addf %min3A_661, %add3A_663 : vector<16xf32>
    %convert_element_type3A_665 = arith.fptosi %add3A_664 : vector<16xf32> to vector<16xi32>
    %swap3A_666 = arith.constant 368 : index
    %swap3A_667 = tpu.vector_load %arg6[%swap3A_666] {strides = array<i32>} : memref<512xi32, #tpu.memory_space<vmem>>, vector<16xi32>,
    %swap3A_668 = vector.shape_cast %swap3A_667 : vector<16xi32> to vector<16xi32>
    %swap3A_669 = vector.shape_cast %convert_element_type3A_665 : vector<16xi32> to vector<16xi32>
    tpu.vector_store %arg6[%swap3A_666], %swap3A_669 {strides = array<i32>} : memref<512xi32, #tpu.memory_space<vmem>>, vector<16xi32>,
    %dma_start3A_670 = arith.constant 320 : i32
    %dma_start3A_671 = arith.constant 0 : i32
    %dma_start3A_672 = tpu.memref_slice %arg7[%dma_start3A_670, %dma_start3A_671] : memref<512x128xf32, #tpu.memory_space<vmem>> -> memref<64x128xf32, #tpu.memory_space<vmem>>
    %dma_start3A_673 = arith.constant 320 : i32
    %dma_start3A_674 = tpu.memref_slice %arg6[%dma_start3A_673] : memref<512xi32, #tpu.memory_space<vmem>> -> memref<64xi32, #tpu.memory_space<vmem>>
    %dma_start3A_675 = arith.constant 0 : i32
    %dma_start3A_676 = arith.constant 0 : i32
    %dma_start3A_677 = tpu.memref_slice %arg8[%dma_start3A_675, %dma_start3A_676] : memref<201x128xf32, #tpu.memory_space<vmem_shared>> -> memref<201x128xf32, #tpu.memory_space<vmem_shared>>
    tpu.enqueue_indirect_dma source(%dma_start3A_677 : memref<201x128xf32, #tpu.memory_space<vmem_shared>>) target(%dma_start3A_672 : memref<64x128xf32, #tpu.memory_space<vmem>>) offsets(%dma_start3A_674 : memref<64xi32, #tpu.memory_space<vmem>>) semaphore(%arg10 : memref<!tpu.dma_semaphore, #tpu.memory_space<semaphore_mem>>)
    %dma_wait3A_678 = arith.constant 256 : i32
    %dma_wait3A_679 = arith.constant 0 : i32
    %dma_wait3A_680 = tpu.memref_slice %arg7[%dma_wait3A_678, %dma_wait3A_679] : memref<512x128xf32, #tpu.memory_space<vmem>> -> memref<64x128xf32, #tpu.memory_space<vmem>>
    %dma_wait3A_681 = arith.constant 256 : i32
    %dma_wait3A_682 = tpu.memref_slice %arg6[%dma_wait3A_681] : memref<512xi32, #tpu.memory_space<vmem>> -> memref<64xi32, #tpu.memory_space<vmem>>
    %dma_wait3A_683 = arith.constant 0 : i32
    %dma_wait3A_684 = arith.constant 0 : i32
    %dma_wait3A_685 = tpu.memref_slice %arg8[%dma_wait3A_683, %dma_wait3A_684] : memref<201x128xf32, #tpu.memory_space<vmem_shared>> -> memref<201x128xf32, #tpu.memory_space<vmem_shared>>
    tpu.wait_indirect_dma semaphore(%arg9 : memref<!tpu.dma_semaphore, #tpu.memory_space<semaphore_mem>>) src(%dma_wait3A_685 : memref<201x128xf32, #tpu.memory_space<vmem_shared>>) dst(%dma_wait3A_680 : memref<64x128xf32, #tpu.memory_space<vmem>>)
    %add3A_686 = arith.constant 256 : i32
    %add3A_687 = arith.addi %mul3A_2, %add3A_686 : i32
    %dma_start3A_688 = arith.constant 256 : i32
    %dma_start3A_689 = arith.constant 0 : i32
    %dma_start3A_690 = tpu.memref_slice %arg7[%dma_start3A_688, %dma_start3A_689] : memref<512x128xf32, #tpu.memory_space<vmem>> -> memref<64x128xf32, #tpu.memory_space<vmem>>
    %dma_start3A_691 = arith.constant 0 : i32
    %dma_start3A_692 = tpu.memref_slice %arg4[%add3A_687, %dma_start3A_691] : memref<16384x128xf32, #tpu.memory_space<hbm>> -> memref<64x128xf32, #tpu.memory_space<hbm>>
    %dma_start3A_693 = arith.constant 0 : i32
    %dma_start3A_694 = tpu.memref_slice %arg4[%add3A_687, %dma_start3A_693] : memref<16384x128xf32, #tpu.memory_space<hbm>> -> memref<64x128xf32, #tpu.memory_space<hbm>>
    %dma_start3A_695 = arith.constant 256 : i32
    %dma_start3A_696 = arith.constant 0 : i32
    %dma_start3A_697 = tpu.memref_slice %arg7[%dma_start3A_695, %dma_start3A_696] : memref<512x128xf32, #tpu.memory_space<vmem>> -> memref<64x128xf32, #tpu.memory_space<vmem>>
    tpu.enqueue_dma source(%dma_start3A_697 : memref<64x128xf32, #tpu.memory_space<vmem>>) target(%dma_start3A_694 : memref<64x128xf32, #tpu.memory_space<hbm>>) target_semaphore(%arg11 : memref<!tpu.dma_semaphore, #tpu.memory_space<semaphore_mem>>)
    %get3A_698 = arith.constant 384 : index
    %get3A_699 = tpu.vector_load %arg5[%get3A_698] {strides = array<i32>} : memref<512xf32, #tpu.memory_space<vmem>>, vector<16xf32>,
    %get3A_700 = vector.shape_cast %get3A_699 : vector<16xf32> to vector<16xf32>
    %add3A_701 = arith.constant 0x4B400000 : f32
    %add3A_702 = vector.broadcast %add3A_701 : f32 to vector<16xf32>
    %add3A_703 = arith.addf %get3A_700, %add3A_702 : vector<16xf32>
    %sub3A_704 = arith.constant 0x4B400000 : f32
    %sub3A_705 = vector.broadcast %sub3A_704 : f32 to vector<16xf32>
    %sub3A_706 = arith.subf %add3A_703, %sub3A_705 : vector<16xf32>
    %max3A_707 = arith.constant -1.000000e+02 : f32
    %max3A_708 = vector.broadcast %max3A_707 : f32 to vector<16xf32>
    %max3A_709 = arith.maximumf %sub3A_706, %max3A_708 : vector<16xf32>
    %min3A_710 = arith.constant 1.000000e+02 : f32
    %min3A_711 = vector.broadcast %min3A_710 : f32 to vector<16xf32>
    %min3A_712 = arith.minimumf %max3A_709, %min3A_711 : vector<16xf32>
    %add3A_713 = arith.constant 1.000000e+02 : f32
    %add3A_714 = vector.broadcast %add3A_713 : f32 to vector<16xf32>
    %add3A_715 = arith.addf %min3A_712, %add3A_714 : vector<16xf32>
    %convert_element_type3A_716 = arith.fptosi %add3A_715 : vector<16xf32> to vector<16xi32>
    %swap3A_717 = arith.constant 384 : index
    %swap3A_718 = tpu.vector_load %arg6[%swap3A_717] {strides = array<i32>} : memref<512xi32, #tpu.memory_space<vmem>>, vector<16xi32>,
    %swap3A_719 = vector.shape_cast %swap3A_718 : vector<16xi32> to vector<16xi32>
    %swap3A_720 = vector.shape_cast %convert_element_type3A_716 : vector<16xi32> to vector<16xi32>
    tpu.vector_store %arg6[%swap3A_717], %swap3A_720 {strides = array<i32>} : memref<512xi32, #tpu.memory_space<vmem>>, vector<16xi32>,
    %get3A_721 = arith.constant 400 : index
    %get3A_722 = tpu.vector_load %arg5[%get3A_721] {strides = array<i32>} : memref<512xf32, #tpu.memory_space<vmem>>, vector<16xf32>,
    %get3A_723 = vector.shape_cast %get3A_722 : vector<16xf32> to vector<16xf32>
    %add3A_724 = arith.constant 0x4B400000 : f32
    %add3A_725 = vector.broadcast %add3A_724 : f32 to vector<16xf32>
    %add3A_726 = arith.addf %get3A_723, %add3A_725 : vector<16xf32>
    %sub3A_727 = arith.constant 0x4B400000 : f32
    %sub3A_728 = vector.broadcast %sub3A_727 : f32 to vector<16xf32>
    %sub3A_729 = arith.subf %add3A_726, %sub3A_728 : vector<16xf32>
    %max3A_730 = arith.constant -1.000000e+02 : f32
    %max3A_731 = vector.broadcast %max3A_730 : f32 to vector<16xf32>
    %max3A_732 = arith.maximumf %sub3A_729, %max3A_731 : vector<16xf32>
    %min3A_733 = arith.constant 1.000000e+02 : f32
    %min3A_734 = vector.broadcast %min3A_733 : f32 to vector<16xf32>
    %min3A_735 = arith.minimumf %max3A_732, %min3A_734 : vector<16xf32>
    %add3A_736 = arith.constant 1.000000e+02 : f32
    %add3A_737 = vector.broadcast %add3A_736 : f32 to vector<16xf32>
    %add3A_738 = arith.addf %min3A_735, %add3A_737 : vector<16xf32>
    %convert_element_type3A_739 = arith.fptosi %add3A_738 : vector<16xf32> to vector<16xi32>
    %swap3A_740 = arith.constant 400 : index
    %swap3A_741 = tpu.vector_load %arg6[%swap3A_740] {strides = array<i32>} : memref<512xi32, #tpu.memory_space<vmem>>, vector<16xi32>,
    %swap3A_742 = vector.shape_cast %swap3A_741 : vector<16xi32> to vector<16xi32>
    %swap3A_743 = vector.shape_cast %convert_element_type3A_739 : vector<16xi32> to vector<16xi32>
    tpu.vector_store %arg6[%swap3A_740], %swap3A_743 {strides = array<i32>} : memref<512xi32, #tpu.memory_space<vmem>>, vector<16xi32>,
    %get3A_744 = arith.constant 416 : index
    %get3A_745 = tpu.vector_load %arg5[%get3A_744] {strides = array<i32>} : memref<512xf32, #tpu.memory_space<vmem>>, vector<16xf32>,
    %get3A_746 = vector.shape_cast %get3A_745 : vector<16xf32> to vector<16xf32>
    %add3A_747 = arith.constant 0x4B400000 : f32
    %add3A_748 = vector.broadcast %add3A_747 : f32 to vector<16xf32>
    %add3A_749 = arith.addf %get3A_746, %add3A_748 : vector<16xf32>
    %sub3A_750 = arith.constant 0x4B400000 : f32
    %sub3A_751 = vector.broadcast %sub3A_750 : f32 to vector<16xf32>
    %sub3A_752 = arith.subf %add3A_749, %sub3A_751 : vector<16xf32>
    %max3A_753 = arith.constant -1.000000e+02 : f32
    %max3A_754 = vector.broadcast %max3A_753 : f32 to vector<16xf32>
    %max3A_755 = arith.maximumf %sub3A_752, %max3A_754 : vector<16xf32>
    %min3A_756 = arith.constant 1.000000e+02 : f32
    %min3A_757 = vector.broadcast %min3A_756 : f32 to vector<16xf32>
    %min3A_758 = arith.minimumf %max3A_755, %min3A_757 : vector<16xf32>
    %add3A_759 = arith.constant 1.000000e+02 : f32
    %add3A_760 = vector.broadcast %add3A_759 : f32 to vector<16xf32>
    %add3A_761 = arith.addf %min3A_758, %add3A_760 : vector<16xf32>
    %convert_element_type3A_762 = arith.fptosi %add3A_761 : vector<16xf32> to vector<16xi32>
    %swap3A_763 = arith.constant 416 : index
    %swap3A_764 = tpu.vector_load %arg6[%swap3A_763] {strides = array<i32>} : memref<512xi32, #tpu.memory_space<vmem>>, vector<16xi32>,
    %swap3A_765 = vector.shape_cast %swap3A_764 : vector<16xi32> to vector<16xi32>
    %swap3A_766 = vector.shape_cast %convert_element_type3A_762 : vector<16xi32> to vector<16xi32>
    tpu.vector_store %arg6[%swap3A_763], %swap3A_766 {strides = array<i32>} : memref<512xi32, #tpu.memory_space<vmem>>, vector<16xi32>,
    %get3A_767 = arith.constant 432 : index
    %get3A_768 = tpu.vector_load %arg5[%get3A_767] {strides = array<i32>} : memref<512xf32, #tpu.memory_space<vmem>>, vector<16xf32>,
    %get3A_769 = vector.shape_cast %get3A_768 : vector<16xf32> to vector<16xf32>
    %add3A_770 = arith.constant 0x4B400000 : f32
    %add3A_771 = vector.broadcast %add3A_770 : f32 to vector<16xf32>
    %add3A_772 = arith.addf %get3A_769, %add3A_771 : vector<16xf32>
    %sub3A_773 = arith.constant 0x4B400000 : f32
    %sub3A_774 = vector.broadcast %sub3A_773 : f32 to vector<16xf32>
    %sub3A_775 = arith.subf %add3A_772, %sub3A_774 : vector<16xf32>
    %max3A_776 = arith.constant -1.000000e+02 : f32
    %max3A_777 = vector.broadcast %max3A_776 : f32 to vector<16xf32>
    %max3A_778 = arith.maximumf %sub3A_775, %max3A_777 : vector<16xf32>
    %min3A_779 = arith.constant 1.000000e+02 : f32
    %min3A_780 = vector.broadcast %min3A_779 : f32 to vector<16xf32>
    %min3A_781 = arith.minimumf %max3A_778, %min3A_780 : vector<16xf32>
    %add3A_782 = arith.constant 1.000000e+02 : f32
    %add3A_783 = vector.broadcast %add3A_782 : f32 to vector<16xf32>
    %add3A_784 = arith.addf %min3A_781, %add3A_783 : vector<16xf32>
    %convert_element_type3A_785 = arith.fptosi %add3A_784 : vector<16xf32> to vector<16xi32>
    %swap3A_786 = arith.constant 432 : index
    %swap3A_787 = tpu.vector_load %arg6[%swap3A_786] {strides = array<i32>} : memref<512xi32, #tpu.memory_space<vmem>>, vector<16xi32>,
    %swap3A_788 = vector.shape_cast %swap3A_787 : vector<16xi32> to vector<16xi32>
    %swap3A_789 = vector.shape_cast %convert_element_type3A_785 : vector<16xi32> to vector<16xi32>
    tpu.vector_store %arg6[%swap3A_786], %swap3A_789 {strides = array<i32>} : memref<512xi32, #tpu.memory_space<vmem>>, vector<16xi32>,
    %dma_start3A_790 = arith.constant 384 : i32
    %dma_start3A_791 = arith.constant 0 : i32
    %dma_start3A_792 = tpu.memref_slice %arg7[%dma_start3A_790, %dma_start3A_791] : memref<512x128xf32, #tpu.memory_space<vmem>> -> memref<64x128xf32, #tpu.memory_space<vmem>>
    %dma_start3A_793 = arith.constant 384 : i32
    %dma_start3A_794 = tpu.memref_slice %arg6[%dma_start3A_793] : memref<512xi32, #tpu.memory_space<vmem>> -> memref<64xi32, #tpu.memory_space<vmem>>
    %dma_start3A_795 = arith.constant 0 : i32
    %dma_start3A_796 = arith.constant 0 : i32
    %dma_start3A_797 = tpu.memref_slice %arg8[%dma_start3A_795, %dma_start3A_796] : memref<201x128xf32, #tpu.memory_space<vmem_shared>> -> memref<201x128xf32, #tpu.memory_space<vmem_shared>>
    tpu.enqueue_indirect_dma source(%dma_start3A_797 : memref<201x128xf32, #tpu.memory_space<vmem_shared>>) target(%dma_start3A_792 : memref<64x128xf32, #tpu.memory_space<vmem>>) offsets(%dma_start3A_794 : memref<64xi32, #tpu.memory_space<vmem>>) semaphore(%arg9 : memref<!tpu.dma_semaphore, #tpu.memory_space<semaphore_mem>>)
    %dma_wait3A_798 = arith.constant 320 : i32
    %dma_wait3A_799 = arith.constant 0 : i32
    %dma_wait3A_800 = tpu.memref_slice %arg7[%dma_wait3A_798, %dma_wait3A_799] : memref<512x128xf32, #tpu.memory_space<vmem>> -> memref<64x128xf32, #tpu.memory_space<vmem>>
    %dma_wait3A_801 = arith.constant 320 : i32
    %dma_wait3A_802 = tpu.memref_slice %arg6[%dma_wait3A_801] : memref<512xi32, #tpu.memory_space<vmem>> -> memref<64xi32, #tpu.memory_space<vmem>>
    %dma_wait3A_803 = arith.constant 0 : i32
    %dma_wait3A_804 = arith.constant 0 : i32
    %dma_wait3A_805 = tpu.memref_slice %arg8[%dma_wait3A_803, %dma_wait3A_804] : memref<201x128xf32, #tpu.memory_space<vmem_shared>> -> memref<201x128xf32, #tpu.memory_space<vmem_shared>>
    tpu.wait_indirect_dma semaphore(%arg10 : memref<!tpu.dma_semaphore, #tpu.memory_space<semaphore_mem>>) src(%dma_wait3A_805 : memref<201x128xf32, #tpu.memory_space<vmem_shared>>) dst(%dma_wait3A_800 : memref<64x128xf32, #tpu.memory_space<vmem>>)
    %add3A_806 = arith.constant 320 : i32
    %add3A_807 = arith.addi %mul3A_2, %add3A_806 : i32
    %dma_start3A_808 = arith.constant 320 : i32
    %dma_start3A_809 = arith.constant 0 : i32
    %dma_start3A_810 = tpu.memref_slice %arg7[%dma_start3A_808, %dma_start3A_809] : memref<512x128xf32, #tpu.memory_space<vmem>> -> memref<64x128xf32, #tpu.memory_space<vmem>>
    %dma_start3A_811 = arith.constant 0 : i32
    %dma_start3A_812 = tpu.memref_slice %arg4[%add3A_807, %dma_start3A_811] : memref<16384x128xf32, #tpu.memory_space<hbm>> -> memref<64x128xf32, #tpu.memory_space<hbm>>
    %dma_start3A_813 = arith.constant 0 : i32
    %dma_start3A_814 = tpu.memref_slice %arg4[%add3A_807, %dma_start3A_813] : memref<16384x128xf32, #tpu.memory_space<hbm>> -> memref<64x128xf32, #tpu.memory_space<hbm>>
    %dma_start3A_815 = arith.constant 320 : i32
    %dma_start3A_816 = arith.constant 0 : i32
    %dma_start3A_817 = tpu.memref_slice %arg7[%dma_start3A_815, %dma_start3A_816] : memref<512x128xf32, #tpu.memory_space<vmem>> -> memref<64x128xf32, #tpu.memory_space<vmem>>
    tpu.enqueue_dma source(%dma_start3A_817 : memref<64x128xf32, #tpu.memory_space<vmem>>) target(%dma_start3A_814 : memref<64x128xf32, #tpu.memory_space<hbm>>) target_semaphore(%arg11 : memref<!tpu.dma_semaphore, #tpu.memory_space<semaphore_mem>>)
    %get3A_818 = arith.constant 448 : index
    %get3A_819 = tpu.vector_load %arg5[%get3A_818] {strides = array<i32>} : memref<512xf32, #tpu.memory_space<vmem>>, vector<16xf32>,
    %get3A_820 = vector.shape_cast %get3A_819 : vector<16xf32> to vector<16xf32>
    %add3A_821 = arith.constant 0x4B400000 : f32
    %add3A_822 = vector.broadcast %add3A_821 : f32 to vector<16xf32>
    %add3A_823 = arith.addf %get3A_820, %add3A_822 : vector<16xf32>
    %sub3A_824 = arith.constant 0x4B400000 : f32
    %sub3A_825 = vector.broadcast %sub3A_824 : f32 to vector<16xf32>
    %sub3A_826 = arith.subf %add3A_823, %sub3A_825 : vector<16xf32>
    %max3A_827 = arith.constant -1.000000e+02 : f32
    %max3A_828 = vector.broadcast %max3A_827 : f32 to vector<16xf32>
    %max3A_829 = arith.maximumf %sub3A_826, %max3A_828 : vector<16xf32>
    %min3A_830 = arith.constant 1.000000e+02 : f32
    %min3A_831 = vector.broadcast %min3A_830 : f32 to vector<16xf32>
    %min3A_832 = arith.minimumf %max3A_829, %min3A_831 : vector<16xf32>
    %add3A_833 = arith.constant 1.000000e+02 : f32
    %add3A_834 = vector.broadcast %add3A_833 : f32 to vector<16xf32>
    %add3A_835 = arith.addf %min3A_832, %add3A_834 : vector<16xf32>
    %convert_element_type3A_836 = arith.fptosi %add3A_835 : vector<16xf32> to vector<16xi32>
    %swap3A_837 = arith.constant 448 : index
    %swap3A_838 = tpu.vector_load %arg6[%swap3A_837] {strides = array<i32>} : memref<512xi32, #tpu.memory_space<vmem>>, vector<16xi32>,
    %swap3A_839 = vector.shape_cast %swap3A_838 : vector<16xi32> to vector<16xi32>
    %swap3A_840 = vector.shape_cast %convert_element_type3A_836 : vector<16xi32> to vector<16xi32>
    tpu.vector_store %arg6[%swap3A_837], %swap3A_840 {strides = array<i32>} : memref<512xi32, #tpu.memory_space<vmem>>, vector<16xi32>,
    %get3A_841 = arith.constant 464 : index
    %get3A_842 = tpu.vector_load %arg5[%get3A_841] {strides = array<i32>} : memref<512xf32, #tpu.memory_space<vmem>>, vector<16xf32>,
    %get3A_843 = vector.shape_cast %get3A_842 : vector<16xf32> to vector<16xf32>
    %add3A_844 = arith.constant 0x4B400000 : f32
    %add3A_845 = vector.broadcast %add3A_844 : f32 to vector<16xf32>
    %add3A_846 = arith.addf %get3A_843, %add3A_845 : vector<16xf32>
    %sub3A_847 = arith.constant 0x4B400000 : f32
    %sub3A_848 = vector.broadcast %sub3A_847 : f32 to vector<16xf32>
    %sub3A_849 = arith.subf %add3A_846, %sub3A_848 : vector<16xf32>
    %max3A_850 = arith.constant -1.000000e+02 : f32
    %max3A_851 = vector.broadcast %max3A_850 : f32 to vector<16xf32>
    %max3A_852 = arith.maximumf %sub3A_849, %max3A_851 : vector<16xf32>
    %min3A_853 = arith.constant 1.000000e+02 : f32
    %min3A_854 = vector.broadcast %min3A_853 : f32 to vector<16xf32>
    %min3A_855 = arith.minimumf %max3A_852, %min3A_854 : vector<16xf32>
    %add3A_856 = arith.constant 1.000000e+02 : f32
    %add3A_857 = vector.broadcast %add3A_856 : f32 to vector<16xf32>
    %add3A_858 = arith.addf %min3A_855, %add3A_857 : vector<16xf32>
    %convert_element_type3A_859 = arith.fptosi %add3A_858 : vector<16xf32> to vector<16xi32>
    %swap3A_860 = arith.constant 464 : index
    %swap3A_861 = tpu.vector_load %arg6[%swap3A_860] {strides = array<i32>} : memref<512xi32, #tpu.memory_space<vmem>>, vector<16xi32>,
    %swap3A_862 = vector.shape_cast %swap3A_861 : vector<16xi32> to vector<16xi32>
    %swap3A_863 = vector.shape_cast %convert_element_type3A_859 : vector<16xi32> to vector<16xi32>
    tpu.vector_store %arg6[%swap3A_860], %swap3A_863 {strides = array<i32>} : memref<512xi32, #tpu.memory_space<vmem>>, vector<16xi32>,
    %get3A_864 = arith.constant 480 : index
    %get3A_865 = tpu.vector_load %arg5[%get3A_864] {strides = array<i32>} : memref<512xf32, #tpu.memory_space<vmem>>, vector<16xf32>,
    %get3A_866 = vector.shape_cast %get3A_865 : vector<16xf32> to vector<16xf32>
    %add3A_867 = arith.constant 0x4B400000 : f32
    %add3A_868 = vector.broadcast %add3A_867 : f32 to vector<16xf32>
    %add3A_869 = arith.addf %get3A_866, %add3A_868 : vector<16xf32>
    %sub3A_870 = arith.constant 0x4B400000 : f32
    %sub3A_871 = vector.broadcast %sub3A_870 : f32 to vector<16xf32>
    %sub3A_872 = arith.subf %add3A_869, %sub3A_871 : vector<16xf32>
    %max3A_873 = arith.constant -1.000000e+02 : f32
    %max3A_874 = vector.broadcast %max3A_873 : f32 to vector<16xf32>
    %max3A_875 = arith.maximumf %sub3A_872, %max3A_874 : vector<16xf32>
    %min3A_876 = arith.constant 1.000000e+02 : f32
    %min3A_877 = vector.broadcast %min3A_876 : f32 to vector<16xf32>
    %min3A_878 = arith.minimumf %max3A_875, %min3A_877 : vector<16xf32>
    %add3A_879 = arith.constant 1.000000e+02 : f32
    %add3A_880 = vector.broadcast %add3A_879 : f32 to vector<16xf32>
    %add3A_881 = arith.addf %min3A_878, %add3A_880 : vector<16xf32>
    %convert_element_type3A_882 = arith.fptosi %add3A_881 : vector<16xf32> to vector<16xi32>
    %swap3A_883 = arith.constant 480 : index
    %swap3A_884 = tpu.vector_load %arg6[%swap3A_883] {strides = array<i32>} : memref<512xi32, #tpu.memory_space<vmem>>, vector<16xi32>,
    %swap3A_885 = vector.shape_cast %swap3A_884 : vector<16xi32> to vector<16xi32>
    %swap3A_886 = vector.shape_cast %convert_element_type3A_882 : vector<16xi32> to vector<16xi32>
    tpu.vector_store %arg6[%swap3A_883], %swap3A_886 {strides = array<i32>} : memref<512xi32, #tpu.memory_space<vmem>>, vector<16xi32>,
    %get3A_887 = arith.constant 496 : index
    %get3A_888 = tpu.vector_load %arg5[%get3A_887] {strides = array<i32>} : memref<512xf32, #tpu.memory_space<vmem>>, vector<16xf32>,
    %get3A_889 = vector.shape_cast %get3A_888 : vector<16xf32> to vector<16xf32>
    %add3A_890 = arith.constant 0x4B400000 : f32
    %add3A_891 = vector.broadcast %add3A_890 : f32 to vector<16xf32>
    %add3A_892 = arith.addf %get3A_889, %add3A_891 : vector<16xf32>
    %sub3A_893 = arith.constant 0x4B400000 : f32
    %sub3A_894 = vector.broadcast %sub3A_893 : f32 to vector<16xf32>
    %sub3A_895 = arith.subf %add3A_892, %sub3A_894 : vector<16xf32>
    %max3A_896 = arith.constant -1.000000e+02 : f32
    %max3A_897 = vector.broadcast %max3A_896 : f32 to vector<16xf32>
    %max3A_898 = arith.maximumf %sub3A_895, %max3A_897 : vector<16xf32>
    %min3A_899 = arith.constant 1.000000e+02 : f32
    %min3A_900 = vector.broadcast %min3A_899 : f32 to vector<16xf32>
    %min3A_901 = arith.minimumf %max3A_898, %min3A_900 : vector<16xf32>
    %add3A_902 = arith.constant 1.000000e+02 : f32
    %add3A_903 = vector.broadcast %add3A_902 : f32 to vector<16xf32>
    %add3A_904 = arith.addf %min3A_901, %add3A_903 : vector<16xf32>
    %convert_element_type3A_905 = arith.fptosi %add3A_904 : vector<16xf32> to vector<16xi32>
    %swap3A_906 = arith.constant 496 : index
    %swap3A_907 = tpu.vector_load %arg6[%swap3A_906] {strides = array<i32>} : memref<512xi32, #tpu.memory_space<vmem>>, vector<16xi32>,
    %swap3A_908 = vector.shape_cast %swap3A_907 : vector<16xi32> to vector<16xi32>
    %swap3A_909 = vector.shape_cast %convert_element_type3A_905 : vector<16xi32> to vector<16xi32>
    tpu.vector_store %arg6[%swap3A_906], %swap3A_909 {strides = array<i32>} : memref<512xi32, #tpu.memory_space<vmem>>, vector<16xi32>,
    %dma_start3A_910 = arith.constant 448 : i32
    %dma_start3A_911 = arith.constant 0 : i32
    %dma_start3A_912 = tpu.memref_slice %arg7[%dma_start3A_910, %dma_start3A_911] : memref<512x128xf32, #tpu.memory_space<vmem>> -> memref<64x128xf32, #tpu.memory_space<vmem>>
    %dma_start3A_913 = arith.constant 448 : i32
    %dma_start3A_914 = tpu.memref_slice %arg6[%dma_start3A_913] : memref<512xi32, #tpu.memory_space<vmem>> -> memref<64xi32, #tpu.memory_space<vmem>>
    %dma_start3A_915 = arith.constant 0 : i32
    %dma_start3A_916 = arith.constant 0 : i32
    %dma_start3A_917 = tpu.memref_slice %arg8[%dma_start3A_915, %dma_start3A_916] : memref<201x128xf32, #tpu.memory_space<vmem_shared>> -> memref<201x128xf32, #tpu.memory_space<vmem_shared>>
    tpu.enqueue_indirect_dma source(%dma_start3A_917 : memref<201x128xf32, #tpu.memory_space<vmem_shared>>) target(%dma_start3A_912 : memref<64x128xf32, #tpu.memory_space<vmem>>) offsets(%dma_start3A_914 : memref<64xi32, #tpu.memory_space<vmem>>) semaphore(%arg10 : memref<!tpu.dma_semaphore, #tpu.memory_space<semaphore_mem>>)
    %dma_wait3A_918 = arith.constant 384 : i32
    %dma_wait3A_919 = arith.constant 0 : i32
    %dma_wait3A_920 = tpu.memref_slice %arg7[%dma_wait3A_918, %dma_wait3A_919] : memref<512x128xf32, #tpu.memory_space<vmem>> -> memref<64x128xf32, #tpu.memory_space<vmem>>
    %dma_wait3A_921 = arith.constant 384 : i32
    %dma_wait3A_922 = tpu.memref_slice %arg6[%dma_wait3A_921] : memref<512xi32, #tpu.memory_space<vmem>> -> memref<64xi32, #tpu.memory_space<vmem>>
    %dma_wait3A_923 = arith.constant 0 : i32
    %dma_wait3A_924 = arith.constant 0 : i32
    %dma_wait3A_925 = tpu.memref_slice %arg8[%dma_wait3A_923, %dma_wait3A_924] : memref<201x128xf32, #tpu.memory_space<vmem_shared>> -> memref<201x128xf32, #tpu.memory_space<vmem_shared>>
    tpu.wait_indirect_dma semaphore(%arg9 : memref<!tpu.dma_semaphore, #tpu.memory_space<semaphore_mem>>) src(%dma_wait3A_925 : memref<201x128xf32, #tpu.memory_space<vmem_shared>>) dst(%dma_wait3A_920 : memref<64x128xf32, #tpu.memory_space<vmem>>)
    %add3A_926 = arith.constant 384 : i32
    %add3A_927 = arith.addi %mul3A_2, %add3A_926 : i32
    %dma_start3A_928 = arith.constant 384 : i32
    %dma_start3A_929 = arith.constant 0 : i32
    %dma_start3A_930 = tpu.memref_slice %arg7[%dma_start3A_928, %dma_start3A_929] : memref<512x128xf32, #tpu.memory_space<vmem>> -> memref<64x128xf32, #tpu.memory_space<vmem>>
    %dma_start3A_931 = arith.constant 0 : i32
    %dma_start3A_932 = tpu.memref_slice %arg4[%add3A_927, %dma_start3A_931] : memref<16384x128xf32, #tpu.memory_space<hbm>> -> memref<64x128xf32, #tpu.memory_space<hbm>>
    %dma_start3A_933 = arith.constant 0 : i32
    %dma_start3A_934 = tpu.memref_slice %arg4[%add3A_927, %dma_start3A_933] : memref<16384x128xf32, #tpu.memory_space<hbm>> -> memref<64x128xf32, #tpu.memory_space<hbm>>
    %dma_start3A_935 = arith.constant 384 : i32
    %dma_start3A_936 = arith.constant 0 : i32
    %dma_start3A_937 = tpu.memref_slice %arg7[%dma_start3A_935, %dma_start3A_936] : memref<512x128xf32, #tpu.memory_space<vmem>> -> memref<64x128xf32, #tpu.memory_space<vmem>>
    tpu.enqueue_dma source(%dma_start3A_937 : memref<64x128xf32, #tpu.memory_space<vmem>>) target(%dma_start3A_934 : memref<64x128xf32, #tpu.memory_space<hbm>>) target_semaphore(%arg11 : memref<!tpu.dma_semaphore, #tpu.memory_space<semaphore_mem>>)
    %dma_wait3A_938 = arith.constant 448 : i32
    %dma_wait3A_939 = arith.constant 0 : i32
    %dma_wait3A_940 = tpu.memref_slice %arg7[%dma_wait3A_938, %dma_wait3A_939] : memref<512x128xf32, #tpu.memory_space<vmem>> -> memref<64x128xf32, #tpu.memory_space<vmem>>
    %dma_wait3A_941 = arith.constant 448 : i32
    %dma_wait3A_942 = tpu.memref_slice %arg6[%dma_wait3A_941] : memref<512xi32, #tpu.memory_space<vmem>> -> memref<64xi32, #tpu.memory_space<vmem>>
    %dma_wait3A_943 = arith.constant 0 : i32
    %dma_wait3A_944 = arith.constant 0 : i32
    %dma_wait3A_945 = tpu.memref_slice %arg8[%dma_wait3A_943, %dma_wait3A_944] : memref<201x128xf32, #tpu.memory_space<vmem_shared>> -> memref<201x128xf32, #tpu.memory_space<vmem_shared>>
    tpu.wait_indirect_dma semaphore(%arg10 : memref<!tpu.dma_semaphore, #tpu.memory_space<semaphore_mem>>) src(%dma_wait3A_945 : memref<201x128xf32, #tpu.memory_space<vmem_shared>>) dst(%dma_wait3A_940 : memref<64x128xf32, #tpu.memory_space<vmem>>)
    %add3A_946 = arith.constant 448 : i32
    %add3A_947 = arith.addi %mul3A_2, %add3A_946 : i32
    %dma_start3A_948 = arith.constant 448 : i32
    %dma_start3A_949 = arith.constant 0 : i32
    %dma_start3A_950 = tpu.memref_slice %arg7[%dma_start3A_948, %dma_start3A_949] : memref<512x128xf32, #tpu.memory_space<vmem>> -> memref<64x128xf32, #tpu.memory_space<vmem>>
    %dma_start3A_951 = arith.constant 0 : i32
    %dma_start3A_952 = tpu.memref_slice %arg4[%add3A_947, %dma_start3A_951] : memref<16384x128xf32, #tpu.memory_space<hbm>> -> memref<64x128xf32, #tpu.memory_space<hbm>>
    %dma_start3A_953 = arith.constant 0 : i32
    %dma_start3A_954 = tpu.memref_slice %arg4[%add3A_947, %dma_start3A_953] : memref<16384x128xf32, #tpu.memory_space<hbm>> -> memref<64x128xf32, #tpu.memory_space<hbm>>
    %dma_start3A_955 = arith.constant 448 : i32
    %dma_start3A_956 = arith.constant 0 : i32
    %dma_start3A_957 = tpu.memref_slice %arg7[%dma_start3A_955, %dma_start3A_956] : memref<512x128xf32, #tpu.memory_space<vmem>> -> memref<64x128xf32, #tpu.memory_space<vmem>>
    tpu.enqueue_dma source(%dma_start3A_957 : memref<64x128xf32, #tpu.memory_space<vmem>>) target(%dma_start3A_954 : memref<64x128xf32, #tpu.memory_space<hbm>>) target_semaphore(%arg11 : memref<!tpu.dma_semaphore, #tpu.memory_space<semaphore_mem>>)
    %dma_wait3A_958 = arith.constant 0 : i32
    %dma_wait3A_959 = arith.constant 0 : i32
    %dma_wait3A_960 = tpu.memref_slice %arg7[%dma_wait3A_958, %dma_wait3A_959] : memref<512x128xf32, #tpu.memory_space<vmem>> -> memref<64x128xf32, #tpu.memory_space<vmem>>
    %dma_wait3A_961 = arith.constant 0 : i32
    %dma_wait3A_962 = tpu.memref_slice %arg4[%add3A_207, %dma_wait3A_961] : memref<16384x128xf32, #tpu.memory_space<hbm>> -> memref<64x128xf32, #tpu.memory_space<hbm>>
    %dma_wait3A_963 = arith.constant 0 : i32
    %dma_wait3A_964 = tpu.memref_slice %arg4[%add3A_207, %dma_wait3A_963] : memref<16384x128xf32, #tpu.memory_space<hbm>> -> memref<64x128xf32, #tpu.memory_space<hbm>>
    %dma_wait3A_965 = arith.constant 0 : i32
    %dma_wait3A_966 = arith.constant 0 : i32
    %dma_wait3A_967 = tpu.memref_slice %arg7[%dma_wait3A_965, %dma_wait3A_966] : memref<512x128xf32, #tpu.memory_space<vmem>> -> memref<64x128xf32, #tpu.memory_space<vmem>>
    tpu.wait_dma2 semaphore(%arg11 : memref<!tpu.dma_semaphore, #tpu.memory_space<semaphore_mem>>) src(%dma_wait3A_967 : memref<64x128xf32, #tpu.memory_space<vmem>>) dst(%dma_wait3A_964 : memref<64x128xf32, #tpu.memory_space<hbm>>)
    %dma_wait3A_968 = arith.constant 64 : i32
    %dma_wait3A_969 = arith.constant 0 : i32
    %dma_wait3A_970 = tpu.memref_slice %arg7[%dma_wait3A_968, %dma_wait3A_969] : memref<512x128xf32, #tpu.memory_space<vmem>> -> memref<64x128xf32, #tpu.memory_space<vmem>>
    %dma_wait3A_971 = arith.constant 0 : i32
    %dma_wait3A_972 = tpu.memref_slice %arg4[%add3A_327, %dma_wait3A_971] : memref<16384x128xf32, #tpu.memory_space<hbm>> -> memref<64x128xf32, #tpu.memory_space<hbm>>
    %dma_wait3A_973 = arith.constant 0 : i32
    %dma_wait3A_974 = tpu.memref_slice %arg4[%add3A_327, %dma_wait3A_973] : memref<16384x128xf32, #tpu.memory_space<hbm>> -> memref<64x128xf32, #tpu.memory_space<hbm>>
    %dma_wait3A_975 = arith.constant 64 : i32
    %dma_wait3A_976 = arith.constant 0 : i32
    %dma_wait3A_977 = tpu.memref_slice %arg7[%dma_wait3A_975, %dma_wait3A_976] : memref<512x128xf32, #tpu.memory_space<vmem>> -> memref<64x128xf32, #tpu.memory_space<vmem>>
    tpu.wait_dma2 semaphore(%arg11 : memref<!tpu.dma_semaphore, #tpu.memory_space<semaphore_mem>>) src(%dma_wait3A_977 : memref<64x128xf32, #tpu.memory_space<vmem>>) dst(%dma_wait3A_974 : memref<64x128xf32, #tpu.memory_space<hbm>>)
    %dma_wait3A_978 = arith.constant 128 : i32
    %dma_wait3A_979 = arith.constant 0 : i32
    %dma_wait3A_980 = tpu.memref_slice %arg7[%dma_wait3A_978, %dma_wait3A_979] : memref<512x128xf32, #tpu.memory_space<vmem>> -> memref<64x128xf32, #tpu.memory_space<vmem>>
    %dma_wait3A_981 = arith.constant 0 : i32
    %dma_wait3A_982 = tpu.memref_slice %arg4[%add3A_447, %dma_wait3A_981] : memref<16384x128xf32, #tpu.memory_space<hbm>> -> memref<64x128xf32, #tpu.memory_space<hbm>>
    %dma_wait3A_983 = arith.constant 0 : i32
    %dma_wait3A_984 = tpu.memref_slice %arg4[%add3A_447, %dma_wait3A_983] : memref<16384x128xf32, #tpu.memory_space<hbm>> -> memref<64x128xf32, #tpu.memory_space<hbm>>
    %dma_wait3A_985 = arith.constant 128 : i32
    %dma_wait3A_986 = arith.constant 0 : i32
    %dma_wait3A_987 = tpu.memref_slice %arg7[%dma_wait3A_985, %dma_wait3A_986] : memref<512x128xf32, #tpu.memory_space<vmem>> -> memref<64x128xf32, #tpu.memory_space<vmem>>
    tpu.wait_dma2 semaphore(%arg11 : memref<!tpu.dma_semaphore, #tpu.memory_space<semaphore_mem>>) src(%dma_wait3A_987 : memref<64x128xf32, #tpu.memory_space<vmem>>) dst(%dma_wait3A_984 : memref<64x128xf32, #tpu.memory_space<hbm>>)
    %dma_wait3A_988 = arith.constant 192 : i32
    %dma_wait3A_989 = arith.constant 0 : i32
    %dma_wait3A_990 = tpu.memref_slice %arg7[%dma_wait3A_988, %dma_wait3A_989] : memref<512x128xf32, #tpu.memory_space<vmem>> -> memref<64x128xf32, #tpu.memory_space<vmem>>
    %dma_wait3A_991 = arith.constant 0 : i32
    %dma_wait3A_992 = tpu.memref_slice %arg4[%add3A_567, %dma_wait3A_991] : memref<16384x128xf32, #tpu.memory_space<hbm>> -> memref<64x128xf32, #tpu.memory_space<hbm>>
    %dma_wait3A_993 = arith.constant 0 : i32
    %dma_wait3A_994 = tpu.memref_slice %arg4[%add3A_567, %dma_wait3A_993] : memref<16384x128xf32, #tpu.memory_space<hbm>> -> memref<64x128xf32, #tpu.memory_space<hbm>>
    %dma_wait3A_995 = arith.constant 192 : i32
    %dma_wait3A_996 = arith.constant 0 : i32
    %dma_wait3A_997 = tpu.memref_slice %arg7[%dma_wait3A_995, %dma_wait3A_996] : memref<512x128xf32, #tpu.memory_space<vmem>> -> memref<64x128xf32, #tpu.memory_space<vmem>>
    tpu.wait_dma2 semaphore(%arg11 : memref<!tpu.dma_semaphore, #tpu.memory_space<semaphore_mem>>) src(%dma_wait3A_997 : memref<64x128xf32, #tpu.memory_space<vmem>>) dst(%dma_wait3A_994 : memref<64x128xf32, #tpu.memory_space<hbm>>)
    %dma_wait3A_998 = arith.constant 256 : i32
    %dma_wait3A_999 = arith.constant 0 : i32
    %dma_wait3A_1000 = tpu.memref_slice %arg7[%dma_wait3A_998, %dma_wait3A_999] : memref<512x128xf32, #tpu.memory_space<vmem>> -> memref<64x128xf32, #tpu.memory_space<vmem>>
    %dma_wait3A_1001 = arith.constant 0 : i32
    %dma_wait3A_1002 = tpu.memref_slice %arg4[%add3A_687, %dma_wait3A_1001] : memref<16384x128xf32, #tpu.memory_space<hbm>> -> memref<64x128xf32, #tpu.memory_space<hbm>>
    %dma_wait3A_1003 = arith.constant 0 : i32
    %dma_wait3A_1004 = tpu.memref_slice %arg4[%add3A_687, %dma_wait3A_1003] : memref<16384x128xf32, #tpu.memory_space<hbm>> -> memref<64x128xf32, #tpu.memory_space<hbm>>
    %dma_wait3A_1005 = arith.constant 256 : i32
    %dma_wait3A_1006 = arith.constant 0 : i32
    %dma_wait3A_1007 = tpu.memref_slice %arg7[%dma_wait3A_1005, %dma_wait3A_1006] : memref<512x128xf32, #tpu.memory_space<vmem>> -> memref<64x128xf32, #tpu.memory_space<vmem>>
    tpu.wait_dma2 semaphore(%arg11 : memref<!tpu.dma_semaphore, #tpu.memory_space<semaphore_mem>>) src(%dma_wait3A_1007 : memref<64x128xf32, #tpu.memory_space<vmem>>) dst(%dma_wait3A_1004 : memref<64x128xf32, #tpu.memory_space<hbm>>)
    %dma_wait3A_1008 = arith.constant 320 : i32
    %dma_wait3A_1009 = arith.constant 0 : i32
    %dma_wait3A_1010 = tpu.memref_slice %arg7[%dma_wait3A_1008, %dma_wait3A_1009] : memref<512x128xf32, #tpu.memory_space<vmem>> -> memref<64x128xf32, #tpu.memory_space<vmem>>
    %dma_wait3A_1011 = arith.constant 0 : i32
    %dma_wait3A_1012 = tpu.memref_slice %arg4[%add3A_807, %dma_wait3A_1011] : memref<16384x128xf32, #tpu.memory_space<hbm>> -> memref<64x128xf32, #tpu.memory_space<hbm>>
    %dma_wait3A_1013 = arith.constant 0 : i32
    %dma_wait3A_1014 = tpu.memref_slice %arg4[%add3A_807, %dma_wait3A_1013] : memref<16384x128xf32, #tpu.memory_space<hbm>> -> memref<64x128xf32, #tpu.memory_space<hbm>>
    %dma_wait3A_1015 = arith.constant 320 : i32
    %dma_wait3A_1016 = arith.constant 0 : i32
    %dma_wait3A_1017 = tpu.memref_slice %arg7[%dma_wait3A_1015, %dma_wait3A_1016] : memref<512x128xf32, #tpu.memory_space<vmem>> -> memref<64x128xf32, #tpu.memory_space<vmem>>
    tpu.wait_dma2 semaphore(%arg11 : memref<!tpu.dma_semaphore, #tpu.memory_space<semaphore_mem>>) src(%dma_wait3A_1017 : memref<64x128xf32, #tpu.memory_space<vmem>>) dst(%dma_wait3A_1014 : memref<64x128xf32, #tpu.memory_space<hbm>>)
    %dma_wait3A_1018 = arith.constant 384 : i32
    %dma_wait3A_1019 = arith.constant 0 : i32
    %dma_wait3A_1020 = tpu.memref_slice %arg7[%dma_wait3A_1018, %dma_wait3A_1019] : memref<512x128xf32, #tpu.memory_space<vmem>> -> memref<64x128xf32, #tpu.memory_space<vmem>>
    %dma_wait3A_1021 = arith.constant 0 : i32
    %dma_wait3A_1022 = tpu.memref_slice %arg4[%add3A_927, %dma_wait3A_1021] : memref<16384x128xf32, #tpu.memory_space<hbm>> -> memref<64x128xf32, #tpu.memory_space<hbm>>
    %dma_wait3A_1023 = arith.constant 0 : i32
    %dma_wait3A_1024 = tpu.memref_slice %arg4[%add3A_927, %dma_wait3A_1023] : memref<16384x128xf32, #tpu.memory_space<hbm>> -> memref<64x128xf32, #tpu.memory_space<hbm>>
    %dma_wait3A_1025 = arith.constant 384 : i32
    %dma_wait3A_1026 = arith.constant 0 : i32
    %dma_wait3A_1027 = tpu.memref_slice %arg7[%dma_wait3A_1025, %dma_wait3A_1026] : memref<512x128xf32, #tpu.memory_space<vmem>> -> memref<64x128xf32, #tpu.memory_space<vmem>>
    tpu.wait_dma2 semaphore(%arg11 : memref<!tpu.dma_semaphore, #tpu.memory_space<semaphore_mem>>) src(%dma_wait3A_1027 : memref<64x128xf32, #tpu.memory_space<vmem>>) dst(%dma_wait3A_1024 : memref<64x128xf32, #tpu.memory_space<hbm>>)
    %dma_wait3A_1028 = arith.constant 448 : i32
    %dma_wait3A_1029 = arith.constant 0 : i32
    %dma_wait3A_1030 = tpu.memref_slice %arg7[%dma_wait3A_1028, %dma_wait3A_1029] : memref<512x128xf32, #tpu.memory_space<vmem>> -> memref<64x128xf32, #tpu.memory_space<vmem>>
    %dma_wait3A_1031 = arith.constant 0 : i32
    %dma_wait3A_1032 = tpu.memref_slice %arg4[%add3A_947, %dma_wait3A_1031] : memref<16384x128xf32, #tpu.memory_space<hbm>> -> memref<64x128xf32, #tpu.memory_space<hbm>>
    %dma_wait3A_1033 = arith.constant 0 : i32
    %dma_wait3A_1034 = tpu.memref_slice %arg4[%add3A_947, %dma_wait3A_1033] : memref<16384x128xf32, #tpu.memory_space<hbm>> -> memref<64x128xf32, #tpu.memory_space<hbm>>
    %dma_wait3A_1035 = arith.constant 448 : i32
    %dma_wait3A_1036 = arith.constant 0 : i32
    %dma_wait3A_1037 = tpu.memref_slice %arg7[%dma_wait3A_1035, %dma_wait3A_1036] : memref<512x128xf32, #tpu.memory_space<vmem>> -> memref<64x128xf32, #tpu.memory_space<vmem>>
    tpu.wait_dma2 semaphore(%arg11 : memref<!tpu.dma_semaphore, #tpu.memory_space<semaphore_mem>>) src(%dma_wait3A_1037 : memref<64x128xf32, #tpu.memory_space<vmem>>) dst(%dma_wait3A_1034 : memref<64x128xf32, #tpu.memory_space<hbm>>)
    return
  }
}

</mosaic_0001>

<sc_bundles>
// kernel: _run.3.cloned.1.call-start
scs
__scs_entry_jumppad:
0x0: {  	(pc) =	sbr.rel $0x88, $3  }
0x1: {  	(tag) =	ssettag $0x0;
	lr =	simm.s32 $0x1  }
0x2: {  	[smem:$0x3F9F] =	sst lr;
	_ =	strace $0xD0000000  }
0x3: {  	_ = 	snop  }
0x4: {  	_ = 	snop  }
0x5: {  	_ = 	snop  }
0x6: {  	_ = 	snop  }
0x7: {  	_ = 	snop  }
__scs_overlays_trampoline_lowered:
0x8: {  	[smem:$0x3FAE] =	sst s0  }
0x9: {  	[smem:$0x3FAF] =	sst s1  }
0xa: {  	[smem:$0x3FB0] =	sst s2  }
0xb: {  	[smem:$0x3FB1] =	sst s3  }
0xc: {  	[smem:$0x3FB2] =	sst s4  }
0xd: {  	[smem:$0x3FB3] =	sst s5  }
0xe: {  	[smem:$0x3FB4] =	sst s6  }
0xf: {  	[smem:$0x3FB5] =	sst s7  }
0x10: {  	[smem:$0x3FB6] =	sst s8  }
0x11: {  	[smem:$0x3FB7] =	sst s9;
	s0 =	simm.s32 @!p0 $0x0  }
0x12: {  	s1 =	sld [smem:$0x3F9D];
	s0 =	simm.s32 @p0 $0x1  }
0x13: {  	[smem:$0x3FB8] =	sst s0;
	s0 =	simm.s32 @!p1 $0x0  }
0x14: {  	s2 =	sld [smem:$0x3F9C];
	s0 =	simm.s32 @p1 $0x1  }
0x15: {  	[smem:$0x3FB9] =	sst s0;
	s0 =	simm.s32 @!p2 $0x0  }
0x16: {  	s3 =	sld [smem:$0x3FDB];
	s0 =	simm.s32 @p2 $0x1  }
0x17: {  	s4 =	simm.s32 $0x1BF5;
	[smem:$0x3FBB] =	sst s0  }
0x18: {  	s0 =	sld [smem:$0x3F9E];
	_ =	swait.ge [sflag:s4], $0x0  }
0x19: {  	s7 =	sld [smem:$0x3F9F]  }
0x1a: {  	s8 =	sadd.s32 $0xFFFFE003, lr  }
0x1b: {  	s9 =	sadd.s32 $0xFFFFFEF7, lr;
	s5 =	simm.s32 $0xFFFFFFFF;
	p2 =	slt.u32 s8, $0xFFFFF086  }
0x1c: {  	p1 =	slt.u32 s9, $0xF7A;
	s5 =	simm.s32 @!p2 $0x0  }
0x1d: {  	s5 =	simm.s32 @p1 $0x1;
	p0 =	seq.s32 s7, s2  }
0x1e: {  	s7 =	smul.u32 @!p0 $0xF7A, s2;
	p2 =	seq.s32 @!p0 s5, $0x0  }
0x1f: {  	s9 =	smul.u32 $0xF7A, s1;
	s8 =	simm.s32 @!p0 $0x1BF5;
	p2 =	por !p2, p0  }
0x20: {  	[sflag:s8] =	ssyncset.s32 @!p0 $0xFFFFF086;
	s6 =	sadd.s32 @!p0 s3, s7;
	s7 =	simm.s32 @!p0 $0x108  }
0x21: {  	s3 =	sadd.s32 s3, s9;
	s6 =	sadd.s32 @!p0 $0x88, s6;
	s7 =	simm.s32 @p2 $0x1082  }
0x22: {  	[simem:s7], [sflag:s8] =	dma.local @!p0 [hbm:s6], $0xF7A  }
0x23: {  	s9 =	sor.u32 $0xD0000000, s2;
	s6 =	simm.s32 $0x108;
	_ =	swait.ge @!p0 [sflag:s8], $0x0  }
0x24: {  	s3 =	sadd.s32 $0x88, s3;
	s6 =	simm.s32 @!p1 $0x1082;
	[sflag:s4] =	ssyncset.s32 $0xFFFFF086  }
0x25: {  	[simem:s6], [sflag:s4] =	dma.local [hbm:s3], $0xF7A  }
0x26: {  	[smem:$0x3F9F] =	sst s1;
	(tag) =	ssettag s2;
	_ =	strace s9  }
0x27: {  	s1 =	sld [smem:$0x3FAF]  }
0x28: {  	s2 =	sld [smem:$0x3FB0]  }
0x29: {  	s4 =	sld [smem:$0x3FB2]  }
0x2a: {  	p0 =	seq.s32 s5, $0x0;
	s5 =	sld [smem:$0x3FB3]  }
0x2b: {  	s6 =	sld [smem:$0x3FB4]  }
0x2c: {  	s7 =	sld [smem:$0x3FB5]  }
0x2d: {  	s3 =	simm.s32 $0x108;
	s8 =	sld [smem:$0x3FB6]  }
0x2e: {  	s3 =	simm.s32 @!p0 $0x1082;
	s9 =	sld [smem:$0x3FB7]  }
0x2f: {  	lr =	sadd.s32 s0, s3;
	s0 =	sld [smem:$0x3FAE]  }
0x30: {  	s3 =	sld [smem:$0x3FB1]  }
0x31: {  	[smem:$0x3FBA] =	sst s10  }
0x32: {  	s10 =	sld [smem:$0x3FB8];
	_ =	sdelay $0x3  }
0x33: {  	p0 =	seq.s32 s10, $0x1;
	s10 =	sld [smem:$0x3FBA];
	_ =	sdelay $0x3  }
0x34: {  	[smem:$0x3FBA] =	sst s10  }
0x35: {  	s10 =	sld [smem:$0x3FB9];
	_ =	sdelay $0x3  }
0x36: {  	p1 =	seq.s32 s10, $0x1;
	s10 =	sld [smem:$0x3FBA];
	_ =	sdelay $0x3  }
0x37: {  	[smem:$0x3FBA] =	sst s10  }
0x38: {  	s10 =	sld [smem:$0x3FBB]  }
0x39: {  	_ = 	snop;
	(pc) =	sbr.ind lr, $3  }
0x3a: {  	_ = 	snop  }
0x3b: {  	_ = 	snop  }
0x3c: {  	p2 =	seq.s32 s10, $0x1;
	s10 =	sld [smem:$0x3FBA]  }
0x3d: {  	_ =	shalt  }
0x3e: {  	_ =	shalt  }
0x3f: {  	_ =	shalt  }
0x40: {  	_ =	shalt  }
0x41: {  	_ =	shalt  }
0x42: {  	_ =	shalt  }
0x43: {  	_ =	shalt  }
0x44: {  	_ =	shalt  }
0x45: {  	_ =	shalt  }
0x46: {  	_ =	shalt  }
0x47: {  	_ =	shalt  }
0x48: {  	_ =	shalt  }
0x49: {  	_ =	shalt  }
0x4a: {  	_ =	shalt  }
0x4b: {  	_ =	shalt  }
0x4c: {  	_ =	shalt  }
0x4d: {  	_ =	shalt  }
0x4e: {  	_ =	shalt  }
0x4f: {  	_ =	shalt  }
0x50: {  	_ =	shalt  }
0x51: {  	_ =	shalt  }
0x52: {  	_ =	shalt  }
0x53: {  	_ =	shalt  }
0x54: {  	_ =	shalt  }
0x55: {  	_ =	shalt  }
0x56: {  	_ =	shalt  }
0x57: {  	_ =	shalt  }
0x58: {  	_ =	shalt  }
0x59: {  	_ =	shalt  }
0x5a: {  	_ =	shalt  }
0x5b: {  	_ =	shalt  }
0x5c: {  	_ =	shalt  }
0x5d: {  	_ =	shalt  }
0x5e: {  	_ =	shalt  }
0x5f: {  	_ =	shalt  }
0x60: {  	_ =	shalt  }
0x61: {  	_ =	shalt  }
0x62: {  	_ =	shalt  }
0x63: {  	_ =	shalt  }
0x64: {  	_ =	shalt  }
0x65: {  	_ =	shalt  }
0x66: {  	_ =	shalt  }
0x67: {  	_ =	shalt  }
0x68: {  	_ =	shalt  }
0x69: {  	_ =	shalt  }
0x6a: {  	_ =	shalt  }
0x6b: {  	_ =	shalt  }
0x6c: {  	_ =	shalt  }
0x6d: {  	_ =	shalt  }
0x6e: {  	_ =	shalt  }
0x6f: {  	_ =	shalt  }
0x70: {  	_ =	shalt  }
0x71: {  	_ =	shalt  }
0x72: {  	_ =	shalt  }
0x73: {  	_ =	shalt  }
0x74: {  	_ =	shalt  }
0x75: {  	_ =	shalt  }
0x76: {  	_ =	shalt  }
0x77: {  	_ =	shalt  }
0x78: {  	_ =	shalt  }
0x79: {  	_ =	shalt  }
0x7a: {  	_ =	shalt  }
0x7b: {  	_ =	shalt  }
0x7c: {  	_ =	shalt  }
0x7d: {  	_ =	shalt  }
0x7e: {  	_ =	shalt  }
0x7f: {  	_ =	shalt  }
0x80: {  	_ =	shalt  }
0x81: {  	_ =	shalt  }
0x82: {  	_ =	shalt  }
0x83: {  	_ =	shalt  }
0x84: {  	_ =	shalt  }
0x85: {  	_ =	shalt  }
0x86: {  	_ =	shalt  }
0x87: {  	_ =	shalt  }
.Lfunc_end0:
.L_simem_size_0:
called_computation_lowered:
.L_overlay_start_0:
0x88: {  	s2 =	sld [smem:$0x3FD9]  }
0x89: {  	s3 =	sld [smem:$0x3FFE];
	_ =	sdelay $0x1  }
0x8a: {  	s1 =	srdreg.scid  }
0x8b: {  	s0 =	sand.u32 $0x1, s1  }
0x8c: {  	s18 =	sshll.u32 s0, $0xA;
	s2 =	sadd.s32 s3, s2  }
0x8d: {  	s2 =	sadd.s32 s2, s18  }
0x8e: {  	[smem:$0x3FC6] =	sst s2  }
0x8f: {  	_ = 	snop  }
0x90: {  	s2 =	sld [smem:$0x3FC9]  }
0x91: {  	s19 =	sld [smem:$0x3FC8]  }
0x92: {  	s4 =	sld [smem:$0x3FD0];
	(tm) =	ssettm $0x1  }
0x93: {  	s5 =	sld [smem:$0x3FFB];
	_ =	sdelay $0x3  }
0x94: {  	_ =	strace s5  }
0x95: {  	s5 =	sld [smem:$0x3FFC];
	_ =	sdelay $0x3  }
0x96: {  	_ =	strace s5  }
0x97: {  	s5 =	sld [smem:$0x3FFD];
	_ =	sdelay $0x3  }
0x98: {  	_ =	strace s5  }
0x99: {  	_ =	strace $0x8FFFFFFF  }
0x9a: {  	s20 =	sld [smem:$0x3FDB];
	_ =	sdelay $0x1  }
0x9b: {  	s6 =	simm.s32 $_scs_section_size  }
0x9c: {  	s7 =	simm.s32 $_size__tile_overlayer_lowered;
	s8 =	simm.s32 $_tile_overlayer_lowered  }
0x9d: {  	s23 =	simm.s32 $0x1BFF;
	s22 =	sshll.u32 s8, $0x1;
	s5 =	sadd.s32 s6, s20  }
0x9e: {  	s9 =	simm.s32 $0x0;
	s21 =	sshll.u32 s7, $0x1;
	s7 =	sadd.s32 s22, s5  }
0x9f: {  	[timem:s9], [sflag:s23] =	dma.local [hbm:s7], s21  }
0xa0: {  	_ =	swait.ge [sflag:s23], s21  }
0xa1: {  	s6 =	ssub.s32 $0x0, s21;
	[sflag:s23] =	ssyncset.done $0x0  }
0xa2: {  	[sflag:s23] =	ssyncadd.s32 s6;
	_ =	sdelay $0x1  }
0xa3: {  	s24 =	simm.s32 $0x1B8B  }
0xa4: {  	_ =	swait.ge [sflag:s24], $0x1  }
0xa5: {  	[sflag:s24] =	ssyncset.done $0x0  }
0xa6: {  	s25 =	simm.s32 $0x1B8E;
	[sflag:s24] =	ssyncadd.s32 $0xFFFFFFFF  }
0xa7: {  	s26 =	simm.s32 $execute0_lowered;
	[smem:$0x3FD2] =	sst s25  }
0xa8: {  	s6 =	sshll.u32 s26, $0x1;
	_ =	strace $0x80000046;
	[dreg:$0x1] =	wrdreg $0xFFFFFFFF  }
0xa9: {  	s28 =	simm.s32 $_size_execute0_lowered;
	s5 =	sadd.s32 s5, s6;
	[dreg:$0x0] =	wrdreg $0x0  }
0xaa: {  	s6 =	sshll.u32 s28, $0x1;
	[dreg:$0x2] =	wrdreg s5  }
0xab: {  	[dreg:$0x3] =	wrdreg s6  }
0xac: {  	[dreg:$0x4] =	wrdreg $0xC0  }
0xad: {  	_ =	task [dreg:s9], $0x5FFFF  }
0xae: {  	[dreg:$0x1] =	wrdreg $0xFFFFFFFF  }
0xaf: {  	[dreg:$0x0] =	wrdreg $0x60  }
0xb0: {  	[dreg:$0x2] =	wrdreg s2  }
0xb1: {  	[dreg:$0x3] =	wrdreg s19  }
0xb2: {  	[dreg:$0x4] =	wrdreg s4  }
0xb3: {  	[dreg:$0x5] =	wrdreg $0x104000  }
0xb4: {  	[dreg:$0x6] =	wrdreg $0x9  }
0xb5: {  	_ =	task.clear_ibuf [dreg:s9], $0x7FFFF;
	_ =	strace $0x90000046  }
0xb6: {  	s29 =	simm.s32 $0x9;
	_ =	strace $0x80000048  }
0xb7: {  	_ =	swait.ge [sflag:s29], $0x1  }
0xb8: {  	[sflag:s29] =	ssyncadd.s32 $0xFFFFFFFF  }
0xb9: {  	_ =	strace $0x90000048  }
0xba: {  	_ =	sfence  }
0xbb: {  	s30 =	sld [smem:$0x0];
	_ =	sdelay $0x2  }
0xbc: {  	s31 =	sshll.u32 s1, $0xD;
	s1 =	sshrl.u32 s1, $0x2  }
0xbd: {  	s3 =	sand.u32 $0x4000, s31;
	s1 =	sadd.s32 s1, s30  }
0xbe: {  	s0 =	sor.u32 s3, s0;
	s1 =	sshll.u32 s1, $0x11  }
0xbf: {  	s0 =	sor.u32 s1, s0  }
0xc0: {  	s0 =	sadd.s32 $0x8F2B, s0  }
0xc1: {  	[sflag:s0] =	ssyncadd.remote.s32 $0x1  }
0xc2: {  	_ =	sfence.sel $0xFFFF  }
0xc3: {  	[dreg:$0x0] =	wrdreg $0xFFFFFFFF;
	(pc) =	sbr.abs _section_cstart, $3  }
0xc4: {  	[dreg:$0x1] =	wrdreg $0xFFFFFFFF  }
0xc5: {  	_ =	task.clear_ibuf [dreg:s9], $0x2FFFF;
	_ =	strace $0x9FFFFFFF  }
0xc6: {  	(tm) =	ssettm $0x7FFFFFFF  }
0xc7: {  	_ =	shalt  }
tec
execute0_lowered:
.L_overlay_start_1:
0x0: {  	(tag) =	ssettag $0x1  }
0x1: {  	s3 =	rddreg [dreg:$0x0]  }
0x2: {  	s0 =	rddreg [dreg:$0x1];
	s23 =	srdreg.scid  }
0x3: {  	s4 =	rddreg [dreg:$0x2];
	s5 =	stileid.u32  }
0x4: {  	s1 =	rddreg [dreg:$0x3];
	s2 =	simm.s32 $0x0;
	s9 =	simm.s32 $0x40  }
0x5: {  	s10 =	simm.s32 $0x200;
	s11 =	simm.s32 $0x400;
	s12 =	simm.s32 $0x240  }
0x6: {  	s13 =	simm.s32 $0x2400;
	s14 =	simm.s32 $0x1;
	s15 =	simm.s32 $0x280  }
0x7: {  	s16 =	simm.s32 $0x4400;
	s17 =	simm.s32 $0x2;
	s18 =	simm.s32 $0x2C0  }
0x8: {  	s19 =	simm.s32 $0x6400;
	s20 =	simm.s32 $0x300;
	s21 =	simm.s32 $0x8400  }
0x9: {  	s22 =	simm.s32 $0x340;
	s28 =	simm.s32 $0xE400;
	[dreg:$0x5] =	wrdreg s0  }
0xa: {  	s29 =	simm.s32 $0x3;
	s6 =	sand.u32 $0x1, s23;
	s0 =	rddreg [dreg:$0x4]  }
0xb: {  	s7 =	sshll.u32 s5, $0xA;
	[smem:$0x7FF] =	sst s2;
	s8 =	sshll.u32 s6, $0x9  }
0xc: {  	p0 =	sne.s32 s5, $0x0;
	s23 =	simm.s32 $0xA400;
	s7 =	sor.u32 s8, s7  }
0xd: {  	_ =	strace $0x80000047;
	s8 =	sshrl.u32 s7, $0x3;
	s7 =	sshll.u32 s7, $0x4  }
0xe: {  	s6 =	ssub.s32 $0x2, s6;
	s8 =	sadd.s32 s3, s8;
	s3 =	sadd.s32 s4, s7  }
0xf: {  	s26 =	sshrl.u32 s6, $0x1;
	[dreg:$0x6] =	wrdreg s8;
	s4 =	sadd.s32 $0x400, s3  }
0x10: {  	s6 =	ssub.s32 s6, s26;
	s24 =	sadd.s32 $0x800, s3;
	[dreg:$0x7] =	wrdreg s4  }
0x11: {  	s26 =	simm.s32 $0x3C0;
	s25 =	sadd.s32 $0xC00, s3;
	[dreg:$0x8] =	wrdreg s24  }
0x12: {  	s6 =	smax.u32 s6, $0x1;
	s30 =	sadd.s32 $0x1000, s3;
	[dreg:$0x9] =	wrdreg s25  }
0x13: {  	s7 =	sshrl.u32 @!p0 s1, $0x3;
	s31 =	sadd.s32 $0x1400, s3;
	[dreg:$0xa] =	wrdreg s30  }
0x14: {  	s5 =	sadd.s32 $0x1C00, s3;
	s8 =	simm.s32 $0x4;
	[dreg:$0xb] =	wrdreg s31  }
0x15: {  	s4 =	sadd.s32 $0x1800, s3;
	s24 =	simm.s32 $0x380;
	s25 =	simm.s32 $0xC400  }
.LBB2_1:
0x16: {  	s30 =	rddreg [dreg:$0x5];
	s31 =	simm.s32 @!p0 $0x1C04  }
0x17: {  	[spmem:s7], [sflag:s31] =	dma.local @!p0 [hbm:s30], $0xC90  }
0x18: {  	s30 =	simm.s32 @!p0 $0x4  }
0x19: {  	_ =	swait.ge @!p0 [sflag:s30], $0xC90  }
0x1a: {  	[sflag:s30] =	ssyncset.done @!p0 $0x0  }
0x1b: {  	s31 =	rddreg [dreg:$0x6];
	[sflag:s30] =	ssyncadd.s32 @!p0 $0xFFFFF370  }
0x1c: {  	[tilespmem:s2], [sflag:$0x4] =	stream.linear.gather [hbm4b:s31+s2], $0x200, $0x38;
	[tilespmem:$0x10A48] =	vst v63  }
0x1d: {  	_ =	swait.ge [sflag:s8], $0x200  }
0x1e: {  	[sflag:s8] =	ssyncset.done $0x0  }
0x1f: {  	[sflag:s8] =	ssyncadd.s32 $0xFFFFFE00  }
0x20: {  	v0 =	vld [tilespmem:$0x0]  }
0x21: {  	v1 =	vld [tilespmem:$0x10]  }
0x22: {  	v2 =	vld [tilespmem:$0x20]  }
0x23: {  	v3 =	vld [tilespmem:$0x30];
	_ =	sdelay $0x1  }
0x24: {  	v0 =	vadd.f32 $1.258291200e+07, v0  }
0x25: {  	v1 =	vadd.f32 $1.258291200e+07, v1  }
0x26: {  	v2 =	vadd.f32 $1.258291200e+07, v2;
	v0 =	vadd.f32 $-1.258291200e+07, v0  }
0x27: {  	v3 =	vadd.f32 $1.258291200e+07, v3;
	v1 =	vadd.f32 $-1.258291200e+07, v1  }
0x28: {  	v2 =	vadd.f32 $-1.258291200e+07, v2;
	v0 =	vmax.f32 v0, $-1.000000000e+02  }
0x29: {  	v3 =	vadd.f32 $-1.258291200e+07, v3;
	v1 =	vmax.f32 v1, $-1.000000000e+02;
	v0 =	vmin.f32 v0, $1.000000000e+02  }
0x2a: {  	v2 =	vmax.f32 v2, $-1.000000000e+02;
	v1 =	vmin.f32 v1, $1.000000000e+02;
	v0 =	vadd.f32 $1.000000000e+02, v0  }
0x2b: {  	v3 =	vmax.f32 v3, $-1.000000000e+02;
	v2 =	vmin.f32 v2, $1.000000000e+02;
	v1 =	vadd.f32 $1.000000000e+02, v1  }
0x2c: {  	v3 =	vmin.f32 v3, $1.000000000e+02;
	v2 =	vadd.f32 $1.000000000e+02, v2;
	v0 =	vtrunc.f32 v0  }
0x2d: {  	v3 =	vadd.f32 $1.000000000e+02, v3;
	v1 =	vtrunc.f32 v1;
	v0 =	vcvt.f32.s32 v0  }
0x2e: {  	v2 =	vtrunc.f32 v2;
	v1 =	vcvt.f32.s32 v1  }
0x2f: {  	v13 =	vtrunc.f32 v3;
	v12 =	vcvt.f32.s32 v2;
	[tilespmem:$0x200] =	vst v0  }
0x30: {  	v14 =	vcvt.f32.s32 v13;
	[tilespmem:$0x210] =	vst v1  }
0x31: {  	[tilespmem:$0x220] =	vst v12  }
0x32: {  	[tilespmem:$0x230] =	vst v14  }
0x33: {  	[bflag:$0x0] =	sbarrier.arrive $0xFFFF  }
0x34: {  	[tilespmem:s11], [sflag:$0x1] =	stream.indirect.gather [spmem:s1], $0x80, s10, s9, $0xb8;
	[tilespmem:$0x10A48] =	vst v63  }
0x35: {  	v15 =	vld [tilespmem:$0x40]  }
0x36: {  	v16 =	vld [tilespmem:$0x50]  }
0x37: {  	v17 =	vld [tilespmem:$0x60]  }
0x38: {  	v18 =	vld [tilespmem:$0x70];
	_ =	sdelay $0x1  }
0x39: {  	v0 =	vadd.f32 $1.258291200e+07, v15  }
0x3a: {  	v1 =	vadd.f32 $1.258291200e+07, v16  }
0x3b: {  	v2 =	vadd.f32 $1.258291200e+07, v17;
	v0 =	vadd.f32 $-1.258291200e+07, v0  }
0x3c: {  	v3 =	vadd.f32 $1.258291200e+07, v18;
	v1 =	vadd.f32 $-1.258291200e+07, v1  }
0x3d: {  	v2 =	vadd.f32 $-1.258291200e+07, v2;
	v0 =	vmax.f32 v0, $-1.000000000e+02  }
0x3e: {  	v3 =	vadd.f32 $-1.258291200e+07, v3;
	v1 =	vmax.f32 v1, $-1.000000000e+02;
	v0 =	vmin.f32 v0, $1.000000000e+02  }
0x3f: {  	v2 =	vmax.f32 v2, $-1.000000000e+02;
	v1 =	vmin.f32 v1, $1.000000000e+02;
	v0 =	vadd.f32 $1.000000000e+02, v0  }
0x40: {  	v3 =	vmax.f32 v3, $-1.000000000e+02;
	v2 =	vmin.f32 v2, $1.000000000e+02;
	v1 =	vadd.f32 $1.000000000e+02, v1  }
0x41: {  	v3 =	vmin.f32 v3, $1.000000000e+02;
	v2 =	vadd.f32 $1.000000000e+02, v2;
	v0 =	vtrunc.f32 v0  }
0x42: {  	v3 =	vadd.f32 $1.000000000e+02, v3;
	v1 =	vtrunc.f32 v1;
	v0 =	vcvt.f32.s32 v0  }
0x43: {  	v2 =	vtrunc.f32 v2;
	v1 =	vcvt.f32.s32 v1  }
0x44: {  	v20 =	vtrunc.f32 v3;
	v19 =	vcvt.f32.s32 v2;
	[tilespmem:$0x240] =	vst v0  }
0x45: {  	v21 =	vcvt.f32.s32 v20;
	[tilespmem:$0x250] =	vst v1  }
0x46: {  	[tilespmem:$0x260] =	vst v19  }
0x47: {  	[tilespmem:$0x270] =	vst v21  }
0x48: {  	[tilespmem:s13], [sflag:$0x2] =	stream.indirect.gather [spmem:s1], $0x80, s12, s9, $0xb8;
	[tilespmem:$0x10A48] =	vst v63  }
0x49: {  	_ =	swait.ge [sflag:s14], $0x2000  }
0x4a: {  	[sflag:s14] =	ssyncset.done $0x0  }
0x4b: {  	[sflag:s14] =	ssyncadd.s32 $0xFFFFE000  }
0x4c: {  	[hbm4b:s3+s2] =	stream.linear.scatter [tilespmem:s11], [sflag:$0x3], $0x2000, $0x38;
	[tilespmem:$0x10A48] =	vst v63  }
0x4d: {  	v22 =	vld [tilespmem:$0x80]  }
0x4e: {  	v23 =	vld [tilespmem:$0x90]  }
0x4f: {  	v24 =	vld [tilespmem:$0xA0]  }
0x50: {  	v25 =	vld [tilespmem:$0xB0];
	_ =	sdelay $0x1  }
0x51: {  	v0 =	vadd.f32 $1.258291200e+07, v22  }
0x52: {  	v1 =	vadd.f32 $1.258291200e+07, v23  }
0x53: {  	v2 =	vadd.f32 $1.258291200e+07, v24;
	v0 =	vadd.f32 $-1.258291200e+07, v0  }
0x54: {  	v3 =	vadd.f32 $1.258291200e+07, v25;
	v1 =	vadd.f32 $-1.258291200e+07, v1  }
0x55: {  	v2 =	vadd.f32 $-1.258291200e+07, v2;
	v0 =	vmax.f32 v0, $-1.000000000e+02  }
0x56: {  	v3 =	vadd.f32 $-1.258291200e+07, v3;
	v1 =	vmax.f32 v1, $-1.000000000e+02;
	v0 =	vmin.f32 v0, $1.000000000e+02  }
0x57: {  	v2 =	vmax.f32 v2, $-1.000000000e+02;
	v1 =	vmin.f32 v1, $1.000000000e+02;
	v0 =	vadd.f32 $1.000000000e+02, v0  }
0x58: {  	v3 =	vmax.f32 v3, $-1.000000000e+02;
	v2 =	vmin.f32 v2, $1.000000000e+02;
	v1 =	vadd.f32 $1.000000000e+02, v1  }
0x59: {  	v3 =	vmin.f32 v3, $1.000000000e+02;
	v2 =	vadd.f32 $1.000000000e+02, v2;
	v0 =	vtrunc.f32 v0  }
0x5a: {  	v3 =	vadd.f32 $1.000000000e+02, v3;
	v1 =	vtrunc.f32 v1;
	v0 =	vcvt.f32.s32 v0  }
0x5b: {  	v2 =	vtrunc.f32 v2;
	v1 =	vcvt.f32.s32 v1  }
0x5c: {  	v27 =	vtrunc.f32 v3;
	v26 =	vcvt.f32.s32 v2;
	[tilespmem:$0x280] =	vst v0  }
0x5d: {  	v28 =	vcvt.f32.s32 v27;
	[tilespmem:$0x290] =	vst v1  }
0x5e: {  	[tilespmem:$0x2A0] =	vst v26  }
0x5f: {  	[tilespmem:$0x2B0] =	vst v28  }
0x60: {  	[tilespmem:s16], [sflag:$0x1] =	stream.indirect.gather [spmem:s1], $0x80, s15, s9, $0xb8;
	[tilespmem:$0x10A48] =	vst v63  }
0x61: {  	_ =	swait.ge [sflag:s17], $0x2000  }
0x62: {  	[sflag:s17] =	ssyncset.done $0x0  }
0x63: {  	s31 =	rddreg [dreg:$0x7];
	[sflag:s17] =	ssyncadd.s32 $0xFFFFE000  }
0x64: {  	[hbm4b:s31+s2] =	stream.linear.scatter [tilespmem:s13], [sflag:$0x3], $0x2000, $0x38;
	[tilespmem:$0x10A48] =	vst v63  }
0x65: {  	v29 =	vld [tilespmem:$0xC0]  }
0x66: {  	v30 =	vld [tilespmem:$0xD0]  }
0x67: {  	v31 =	vld [tilespmem:$0xE0]  }
0x68: {  	v32 =	vld [tilespmem:$0xF0];
	_ =	sdelay $0x1  }
0x69: {  	v0 =	vadd.f32 $1.258291200e+07, v29  }
0x6a: {  	v1 =	vadd.f32 $1.258291200e+07, v30  }
0x6b: {  	v2 =	vadd.f32 $1.258291200e+07, v31;
	v0 =	vadd.f32 $-1.258291200e+07, v0  }
0x6c: {  	v3 =	vadd.f32 $1.258291200e+07, v32;
	v1 =	vadd.f32 $-1.258291200e+07, v1  }
0x6d: {  	v2 =	vadd.f32 $-1.258291200e+07, v2;
	v0 =	vmax.f32 v0, $-1.000000000e+02  }
0x6e: {  	v3 =	vadd.f32 $-1.258291200e+07, v3;
	v1 =	vmax.f32 v1, $-1.000000000e+02;
	v0 =	vmin.f32 v0, $1.000000000e+02  }
0x6f: {  	v2 =	vmax.f32 v2, $-1.000000000e+02;
	v1 =	vmin.f32 v1, $1.000000000e+02;
	v0 =	vadd.f32 $1.000000000e+02, v0  }
0x70: {  	v3 =	vmax.f32 v3, $-1.000000000e+02;
	v2 =	vmin.f32 v2, $1.000000000e+02;
	v1 =	vadd.f32 $1.000000000e+02, v1  }
0x71: {  	v3 =	vmin.f32 v3, $1.000000000e+02;
	v2 =	vadd.f32 $1.000000000e+02, v2;
	v0 =	vtrunc.f32 v0  }
0x72: {  	v3 =	vadd.f32 $1.000000000e+02, v3;
	v1 =	vtrunc.f32 v1;
	v0 =	vcvt.f32.s32 v0  }
0x73: {  	v2 =	vtrunc.f32 v2;
	v1 =	vcvt.f32.s32 v1  }
0x74: {  	v34 =	vtrunc.f32 v3;
	v33 =	vcvt.f32.s32 v2;
	[tilespmem:$0x2C0] =	vst v0  }
0x75: {  	v35 =	vcvt.f32.s32 v34;
	[tilespmem:$0x2D0] =	vst v1  }
0x76: {  	[tilespmem:$0x2E0] =	vst v33  }
0x77: {  	[tilespmem:$0x2F0] =	vst v35  }
0x78: {  	[tilespmem:s19], [sflag:$0x2] =	stream.indirect.gather [spmem:s1], $0x80, s18, s9, $0xb8;
	[tilespmem:$0x10A48] =	vst v63  }
0x79: {  	_ =	swait.ge [sflag:s14], $0x2000  }
0x7a: {  	[sflag:s14] =	ssyncset.done $0x0  }
0x7b: {  	s31 =	rddreg [dreg:$0x8];
	[sflag:s14] =	ssyncadd.s32 $0xFFFFE000  }
0x7c: {  	[hbm4b:s31+s2] =	stream.linear.scatter [tilespmem:s16], [sflag:$0x3], $0x2000, $0x38;
	[tilespmem:$0x10A48] =	vst v63  }
0x7d: {  	v36 =	vld [tilespmem:$0x100]  }
0x7e: {  	v37 =	vld [tilespmem:$0x110]  }
0x7f: {  	v38 =	vld [tilespmem:$0x120]  }
0x80: {  	v39 =	vld [tilespmem:$0x130];
	_ =	sdelay $0x1  }
0x81: {  	v0 =	vadd.f32 $1.258291200e+07, v36  }
0x82: {  	v1 =	vadd.f32 $1.258291200e+07, v37  }
0x83: {  	v2 =	vadd.f32 $1.258291200e+07, v38;
	v0 =	vadd.f32 $-1.258291200e+07, v0  }
0x84: {  	v3 =	vadd.f32 $1.258291200e+07, v39;
	v1 =	vadd.f32 $-1.258291200e+07, v1  }
0x85: {  	v2 =	vadd.f32 $-1.258291200e+07, v2;
	v0 =	vmax.f32 v0, $-1.000000000e+02  }
0x86: {  	v3 =	vadd.f32 $-1.258291200e+07, v3;
	v1 =	vmax.f32 v1, $-1.000000000e+02;
	v0 =	vmin.f32 v0, $1.000000000e+02  }
0x87: {  	v2 =	vmax.f32 v2, $-1.000000000e+02;
	v1 =	vmin.f32 v1, $1.000000000e+02;
	v0 =	vadd.f32 $1.000000000e+02, v0  }
0x88: {  	v3 =	vmax.f32 v3, $-1.000000000e+02;
	v2 =	vmin.f32 v2, $1.000000000e+02;
	v1 =	vadd.f32 $1.000000000e+02, v1  }
0x89: {  	v3 =	vmin.f32 v3, $1.000000000e+02;
	v2 =	vadd.f32 $1.000000000e+02, v2;
	v0 =	vtrunc.f32 v0  }
0x8a: {  	v3 =	vadd.f32 $1.000000000e+02, v3;
	v1 =	vtrunc.f32 v1;
	v0 =	vcvt.f32.s32 v0  }
0x8b: {  	v2 =	vtrunc.f32 v2;
	v1 =	vcvt.f32.s32 v1  }
0x8c: {  	v41 =	vtrunc.f32 v3;
	v40 =	vcvt.f32.s32 v2;
	[tilespmem:$0x300] =	vst v0  }
0x8d: {  	v42 =	vcvt.f32.s32 v41;
	[tilespmem:$0x310] =	vst v1  }
0x8e: {  	[tilespmem:$0x320] =	vst v40  }
0x8f: {  	[tilespmem:$0x330] =	vst v42  }
0x90: {  	[tilespmem:s21], [sflag:$0x1] =	stream.indirect.gather [spmem:s1], $0x80, s20, s9, $0xb8;
	[tilespmem:$0x10A48] =	vst v63  }
0x91: {  	_ =	swait.ge [sflag:s17], $0x2000  }
0x92: {  	[sflag:s17] =	ssyncset.done $0x0  }
0x93: {  	s31 =	rddreg [dreg:$0x9];
	[sflag:s17] =	ssyncadd.s32 $0xFFFFE000  }
0x94: {  	[hbm4b:s31+s2] =	stream.linear.scatter [tilespmem:s19], [sflag:$0x3], $0x2000, $0x38;
	[tilespmem:$0x10A48] =	vst v63  }
0x95: {  	v43 =	vld [tilespmem:$0x140]  }
0x96: {  	v44 =	vld [tilespmem:$0x150]  }
0x97: {  	v45 =	vld [tilespmem:$0x160]  }
0x98: {  	v46 =	vld [tilespmem:$0x170];
	_ =	sdelay $0x1  }
0x99: {  	v0 =	vadd.f32 $1.258291200e+07, v43  }
0x9a: {  	v1 =	vadd.f32 $1.258291200e+07, v44  }
0x9b: {  	v2 =	vadd.f32 $1.258291200e+07, v45;
	v0 =	vadd.f32 $-1.258291200e+07, v0  }
0x9c: {  	v3 =	vadd.f32 $1.258291200e+07, v46;
	v1 =	vadd.f32 $-1.258291200e+07, v1  }
0x9d: {  	v2 =	vadd.f32 $-1.258291200e+07, v2;
	v0 =	vmax.f32 v0, $-1.000000000e+02  }
0x9e: {  	v3 =	vadd.f32 $-1.258291200e+07, v3;
	v1 =	vmax.f32 v1, $-1.000000000e+02;
	v0 =	vmin.f32 v0, $1.000000000e+02  }
0x9f: {  	v2 =	vmax.f32 v2, $-1.000000000e+02;
	v1 =	vmin.f32 v1, $1.000000000e+02;
	v0 =	vadd.f32 $1.000000000e+02, v0  }
0xa0: {  	v3 =	vmax.f32 v3, $-1.000000000e+02;
	v2 =	vmin.f32 v2, $1.000000000e+02;
	v1 =	vadd.f32 $1.000000000e+02, v1  }
0xa1: {  	v3 =	vmin.f32 v3, $1.000000000e+02;
	v2 =	vadd.f32 $1.000000000e+02, v2;
	v0 =	vtrunc.f32 v0  }
0xa2: {  	v3 =	vadd.f32 $1.000000000e+02, v3;
	v1 =	vtrunc.f32 v1;
	v0 =	vcvt.f32.s32 v0  }
0xa3: {  	v2 =	vtrunc.f32 v2;
	v1 =	vcvt.f32.s32 v1  }
0xa4: {  	v48 =	vtrunc.f32 v3;
	v47 =	vcvt.f32.s32 v2;
	[tilespmem:$0x340] =	vst v0  }
0xa5: {  	v49 =	vcvt.f32.s32 v48;
	[tilespmem:$0x350] =	vst v1  }
0xa6: {  	[tilespmem:$0x360] =	vst v47  }
0xa7: {  	[tilespmem:$0x370] =	vst v49  }
0xa8: {  	[tilespmem:s23], [sflag:$0x2] =	stream.indirect.gather [spmem:s1], $0x80, s22, s9, $0xb8;
	[tilespmem:$0x10A48] =	vst v63  }
0xa9: {  	_ =	swait.ge [sflag:s14], $0x2000  }
0xaa: {  	[sflag:s14] =	ssyncset.done $0x0  }
0xab: {  	s31 =	rddreg [dreg:$0xa];
	[sflag:s14] =	ssyncadd.s32 $0xFFFFE000  }
0xac: {  	[hbm4b:s31+s2] =	stream.linear.scatter [tilespmem:s21], [sflag:$0x3], $0x2000, $0x38;
	[tilespmem:$0x10A48] =	vst v63  }
0xad: {  	v50 =	vld [tilespmem:$0x180]  }
0xae: {  	v51 =	vld [tilespmem:$0x190]  }
0xaf: {  	v52 =	vld [tilespmem:$0x1A0]  }
0xb0: {  	v53 =	vld [tilespmem:$0x1B0];
	_ =	sdelay $0x1  }
0xb1: {  	v0 =	vadd.f32 $1.258291200e+07, v50  }
0xb2: {  	v1 =	vadd.f32 $1.258291200e+07, v51  }
0xb3: {  	v2 =	vadd.f32 $1.258291200e+07, v52;
	v0 =	vadd.f32 $-1.258291200e+07, v0  }
0xb4: {  	v3 =	vadd.f32 $1.258291200e+07, v53;
	v1 =	vadd.f32 $-1.258291200e+07, v1  }
0xb5: {  	v2 =	vadd.f32 $-1.258291200e+07, v2;
	v0 =	vmax.f32 v0, $-1.000000000e+02  }
0xb6: {  	v3 =	vadd.f32 $-1.258291200e+07, v3;
	v1 =	vmax.f32 v1, $-1.000000000e+02;
	v0 =	vmin.f32 v0, $1.000000000e+02  }
0xb7: {  	v2 =	vmax.f32 v2, $-1.000000000e+02;
	v1 =	vmin.f32 v1, $1.000000000e+02;
	v0 =	vadd.f32 $1.000000000e+02, v0  }
0xb8: {  	v3 =	vmax.f32 v3, $-1.000000000e+02;
	v2 =	vmin.f32 v2, $1.000000000e+02;
	v1 =	vadd.f32 $1.000000000e+02, v1  }
0xb9: {  	v3 =	vmin.f32 v3, $1.000000000e+02;
	v2 =	vadd.f32 $1.000000000e+02, v2;
	v0 =	vtrunc.f32 v0  }
0xba: {  	v3 =	vadd.f32 $1.000000000e+02, v3;
	v1 =	vtrunc.f32 v1;
	v0 =	vcvt.f32.s32 v0  }
0xbb: {  	v2 =	vtrunc.f32 v2;
	v1 =	vcvt.f32.s32 v1  }
0xbc: {  	v55 =	vtrunc.f32 v3;
	v54 =	vcvt.f32.s32 v2;
	[tilespmem:$0x380] =	vst v0  }
0xbd: {  	v56 =	vcvt.f32.s32 v55;
	[tilespmem:$0x390] =	vst v1  }
0xbe: {  	[tilespmem:$0x3A0] =	vst v54  }
0xbf: {  	[tilespmem:$0x3B0] =	vst v56  }
0xc0: {  	[tilespmem:s25], [sflag:$0x1] =	stream.indirect.gather [spmem:s1], $0x80, s24, s9, $0xb8;
	[tilespmem:$0x10A48] =	vst v63  }
0xc1: {  	_ =	swait.ge [sflag:s17], $0x2000  }
0xc2: {  	[sflag:s17] =	ssyncset.done $0x0  }
0xc3: {  	s31 =	rddreg [dreg:$0xb];
	[sflag:s17] =	ssyncadd.s32 $0xFFFFE000  }
0xc4: {  	[hbm4b:s31+s2] =	stream.linear.scatter [tilespmem:s23], [sflag:$0x3], $0x2000, $0x38;
	[tilespmem:$0x10A48] =	vst v63  }
0xc5: {  	v57 =	vld [tilespmem:$0x1C0]  }
0xc6: {  	v58 =	vld [tilespmem:$0x1D0]  }
0xc7: {  	v59 =	vld [tilespmem:$0x1E0]  }
0xc8: {  	v60 =	vld [tilespmem:$0x1F0];
	_ =	sdelay $0x1  }
0xc9: {  	v0 =	vadd.f32 $1.258291200e+07, v57  }
0xca: {  	v1 =	vadd.f32 $1.258291200e+07, v58  }
0xcb: {  	v2 =	vadd.f32 $1.258291200e+07, v59;
	v0 =	vadd.f32 $-1.258291200e+07, v0  }
0xcc: {  	v3 =	vadd.f32 $1.258291200e+07, v60;
	v1 =	vadd.f32 $-1.258291200e+07, v1  }
0xcd: {  	v2 =	vadd.f32 $-1.258291200e+07, v2;
	v0 =	vmax.f32 v0, $-1.000000000e+02  }
0xce: {  	v3 =	vadd.f32 $-1.258291200e+07, v3;
	v1 =	vmax.f32 v1, $-1.000000000e+02;
	v0 =	vmin.f32 v0, $1.000000000e+02  }
0xcf: {  	v2 =	vmax.f32 v2, $-1.000000000e+02;
	v1 =	vmin.f32 v1, $1.000000000e+02;
	v0 =	vadd.f32 $1.000000000e+02, v0  }
0xd0: {  	v3 =	vmax.f32 v3, $-1.000000000e+02;
	v2 =	vmin.f32 v2, $1.000000000e+02;
	v1 =	vadd.f32 $1.000000000e+02, v1  }
0xd1: {  	v3 =	vmin.f32 v3, $1.000000000e+02;
	v2 =	vadd.f32 $1.000000000e+02, v2;
	v0 =	vtrunc.f32 v0  }
0xd2: {  	v3 =	vadd.f32 $1.000000000e+02, v3;
	v1 =	vtrunc.f32 v1;
	v0 =	vcvt.f32.s32 v0  }
0xd3: {  	v2 =	vtrunc.f32 v2;
	v1 =	vcvt.f32.s32 v1  }
0xd4: {  	v62 =	vtrunc.f32 v3;
	v61 =	vcvt.f32.s32 v2;
	[tilespmem:$0x3C0] =	vst v0  }
0xd5: {  	v63 =	vcvt.f32.s32 v62;
	[tilespmem:$0x3D0] =	vst v1  }
0xd6: {  	[tilespmem:$0x3E0] =	vst v61  }
0xd7: {  	[tilespmem:$0x3F0] =	vst v63  }
0xd8: {  	[tilespmem:s28], [sflag:$0x2] =	stream.indirect.gather [spmem:s1], $0x80, s26, s9, $0xb8;
	[tilespmem:$0x10A48] =	vst v63  }
0xd9: {  	_ =	swait.ge [sflag:s14], $0x2000  }
0xda: {  	[sflag:s14] =	ssyncset.done $0x0  }
0xdb: {  	[sflag:s14] =	ssyncadd.s32 $0xFFFFE000  }
0xdc: {  	[hbm4b:s4+s2] =	stream.linear.scatter [tilespmem:s25], [sflag:$0x3], $0x2000, $0x38;
	[tilespmem:$0x10A48] =	vst v63  }
0xdd: {  	_ =	swait.ge [sflag:s17], $0x2000  }
0xde: {  	[sflag:s17] =	ssyncset.done $0x0  }
0xdf: {  	[sflag:s17] =	ssyncadd.s32 $0xFFFFE000  }
0xe0: {  	[hbm4b:s5+s2] =	stream.linear.scatter [tilespmem:s28], [sflag:$0x3], $0x2000, $0x38;
	[tilespmem:$0x10A48] =	vst v63  }
0xe1: {  	_ =	swait.ge [sflag:s29], $0x2000  }
0xe2: {  	[sflag:s29] =	ssyncset.done $0x0  }
0xe3: {  	[sflag:s29] =	ssyncadd.s32 $0xFFFFE000  }
0xe4: {  	_ =	swait.ge [sflag:s29], $0x2000  }
0xe5: {  	[sflag:s29] =	ssyncset.done $0x0  }
0xe6: {  	[sflag:s29] =	ssyncadd.s32 $0xFFFFE000  }
0xe7: {  	_ =	swait.ge [sflag:s29], $0x2000  }
0xe8: {  	[sflag:s29] =	ssyncset.done $0x0  }
0xe9: {  	[sflag:s29] =	ssyncadd.s32 $0xFFFFE000  }
0xea: {  	_ =	swait.ge [sflag:s29], $0x2000  }
0xeb: {  	[sflag:s29] =	ssyncset.done $0x0  }
0xec: {  	[sflag:s29] =	ssyncadd.s32 $0xFFFFE000  }
0xed: {  	_ =	swait.ge [sflag:s29], $0x2000  }
0xee: {  	[sflag:s29] =	ssyncset.done $0x0  }
0xef: {  	[sflag:s29] =	ssyncadd.s32 $0xFFFFE000  }
0xf0: {  	_ =	swait.ge [sflag:s29], $0x2000  }
0xf1: {  	[sflag:s29] =	ssyncset.done $0x0  }
0xf2: {  	s6 =	sadd.s32 $0xFFFFFFFF, s6;
	[sflag:s29] =	ssyncadd.s32 $0xFFFFE000  }
0xf3: {  	p1 =	sne.s32 s6, $0x0;
	_ =	swait.ge [sflag:s29], $0x2000  }
.Ltmp0:
0xf4: {  	[sflag:s29] =	ssyncset.done $0x0;
	(pc) =	sbr.rel @p1 .LBB2_1-.Ltmp0, $4  }
0xf5: {  	[sflag:s29] =	ssyncadd.s32 $0xFFFFE000  }
0xf6: {  	_ =	swait.ge [sflag:s29], $0x2000  }
0xf7: {  	[sflag:s29] =	ssyncset.done $0x0  }
0xf8: {  	[sflag:s29] =	ssyncadd.s32 $0xFFFFE000  }
0xf9: {  	_ =	sfence.sel $0x180000  }
0xfa: {  	[bflag:$0x0] =	sbarrier.arrive $0xFFFF  }
0xfb: {  	_ =	strace $0x90000047  }
0xfc: {  	s0 =	sadd.s32 @!p0 $0x100000, s0;
	[bflag:$0x2] =	sbarrier.arrive $0xFFFF  }
0xfd: {  	[sflag:s0] =	ssyncadd.tile.s32 @!p0 $0x1;
	_ =	shalt  }
.Lfunc_end2:
_tile_overlayer_lowered:
.L_overlay_start_2:
0xfe: {  	(tag) =	ssettag $0x2  }
0xff: {  	s0 =	rddreg [dreg:$0x0];
	s2 =	stileid.u32  }
0x100: {  	s1 =	rddreg [dreg:$0x1];
	p0 =	sne.s32 s2, $0x0  }
0x101: {  	s3 =	rddreg [dreg:$0x2];
	[bflag:$0x3] =	sbarrier.arrive $0xFFFF;
	s2 =	simm.s32 @!p0 $0x1C04  }
0x102: {  	[timem:s3], [sflag:s2] =	dma.local @!p0 [hbm:s0], s1  }
0x103: {  	s0 =	simm.s32 @!p0 $0x4  }
0x104: {  	_ =	swait.ge @!p0 [sflag:s0], s1  }
0x105: {  	s1 =	ssub.s32 @!p0 $0x0, s1;
	[sflag:s0] =	ssyncset.done @!p0 $0x0  }
0x106: {  	[sflag:s0] =	ssyncadd.s32 @!p0 s1  }
0x107: {  	[bflag:$0x3] =	sbarrier.arrive $0xFFFF  }
0x108: {  	_ =	shalt  }

</sc_bundles>
